<compile_context>
chip_gen: v7x
topology: tpu7x:2x2x1
jax: 0.10.2.dev20260603
libtpu: 0.0.44.dev20260713+nightly
codegen_flags: <defaults>
</compile_context>

<pallas_src>
import functools

import jax
import jax.numpy as jnp
from jax import lax
from jax.experimental import pallas as pl
from jax.experimental.pallas import tpu as pltpu
from jax.experimental.pallas import tpu_sc as plsc

NUM_WORKERS = 32
SAMPLES_PER_CHUNK = 8
NBUF = 2


def _gather_body(idx_hbm, table_hbm, out_hbm, idx_v, rows_v, sem_idx,
                 sem_gather, sem_out, *, chunks_per_worker, hist):
  wid = lax.axis_index("s") * 2 + lax.axis_index("c")
  samp0 = wid * (chunks_per_worker * SAMPLES_PER_CHUNK)
  n = chunks_per_worker

  def chunk_start(g):
    return pl.multiple_of(samp0 + g * SAMPLES_PER_CHUNK, SAMPLES_PER_CHUNK)

  def start_idx_load(g, b):
    pltpu.async_copy(idx_hbm.at[pl.ds(chunk_start(g), SAMPLES_PER_CHUNK)],
                     idx_v.at[b], sem_idx.at[b])

  def wait_idx_load(g, b):
    pltpu.make_async_copy(
        idx_hbm.at[pl.ds(chunk_start(g), SAMPLES_PER_CHUNK)], idx_v.at[b],
        sem_idx.at[b]).wait()

  def gather_descs(b):
    return [
        pltpu.make_async_copy(
            table_hbm.at[idx_v.at[b, i]],
            rows_v.at[b, i],
            sem_gather.at[b],
        ) for i in range(SAMPLES_PER_CHUNK)
    ]

  def out_desc(g, b):
    return pltpu.make_async_copy(
        rows_v.at[b],
        out_hbm.at[pl.ds(chunk_start(g), SAMPLES_PER_CHUNK)], sem_out.at[b])

  start_idx_load(0, 0)

  def body(g, carry):
    b = lax.rem(g, NBUF)
    @pl.when(g >= NBUF)
    def _():
      out_desc(g - NBUF, b).wait()

    wait_idx_load(g, b)
    for d in gather_descs(b):
      d.start()

    @pl.when(g + 1 < n)
    def _():
      start_idx_load(g + 1, 1 - b)

    for d in gather_descs(b):
      d.wait()
    out_desc(g, b).start()
    return carry

  lax.fori_loop(0, n, body, 0, unroll=False)

  for k in range(NBUF):
    g = n - NBUF + k
    out_desc(g, lax.rem(g, NBUF)).wait()


def kernel(indices, table):
  batch, hist = indices.shape
  _, embed_dim = table.shape
  assert batch % (NUM_WORKERS * SAMPLES_PER_CHUNK) == 0
  chunks_per_worker = batch // (NUM_WORKERS * SAMPLES_PER_CHUNK)

  mesh = plsc.VectorSubcoreMesh(core_axis_name="c", subcore_axis_name="s")
  gather = functools.partial(
      pl.kernel,
      mesh=mesh,
      out_type=jax.ShapeDtypeStruct((batch, hist, embed_dim), jnp.float32),
      scratch_types=[
          pltpu.VMEM((NBUF, SAMPLES_PER_CHUNK, hist), jnp.int32),
          pltpu.VMEM((NBUF, SAMPLES_PER_CHUNK, hist, embed_dim), jnp.float32),
          pltpu.SemaphoreType.DMA((NBUF,)),
          pltpu.SemaphoreType.DMA((NBUF,)),
          pltpu.SemaphoreType.DMA((NBUF,)),
      ],
      compiler_params=pltpu.CompilerParams(use_tc_tiling_on_sc=False),
  )(functools.partial(
      _gather_body, chunks_per_worker=chunks_per_worker, hist=hist))

  return gather(indices.astype(jnp.int32), table)

# --- scband reference (transcript-rebuilt; emitter-appended) ---
"""Pipeline reference for scband-encoder-89601607729563 (READ-ONLY COPY).

The authoritative reference and input builder live on the scoring server;
editing this copy changes nothing except your own understanding.
"""

import jax, jax.numpy as jnp
import numpy as np

VOCAB = 1000000
EMBED_DIM = 64
BATCH = 16384
HIST_LEN = 50

def setup_inputs(seed: int = 0) -> dict:
    key = jax.random.key(seed)
    k_idx, k_tab = jax.random.split(key)
    indices = jax.random.randint(k_idx, (BATCH, HIST_LEN), 0, VOCAB, dtype=jnp.int64 if jax.config.jax_enable_x64 else jnp.int32)
    table = jax.random.normal(k_tab, (VOCAB, EMBED_DIM), dtype=jnp.float32) * 0.02
    return {"indices": indices, "table": table}

def reference(indices, table):
    # Faithful translation of nn.Embedding forward: row gather from table.
    return jnp.take(table, indices, axis=0)

if __name__ == "__main__":
    import jax
    _d = setup_inputs()
    print(jax.jit(kernel)(*tuple(_d.values())))

</pallas_src>

<mosaic_0001>
#map = affine_map<(d0, d1) -> (0, 0)>
#map1 = affine_map<(d0, d1) -> (0, 0, 0)>
module attributes {stable_mosaic.version = 14 : i64} {
  func.func @_gather_body(%arg0: i32, %arg1: i32, %arg2: memref<16384x50xi32, #tpu.memory_space<hbm>>, %arg3: memref<1000000x64xf32, #tpu.memory_space<hbm>>, %arg4: memref<16384x50x64xf32, #tpu.memory_space<hbm>>, %arg5: memref<2x8x50xi32, #tpu.memory_space<vmem>>, %arg6: memref<2x8x50x64xf32, #tpu.memory_space<vmem>>, %arg7: memref<2x!tpu.dma_semaphore, #tpu.memory_space<semaphore_mem>>, %arg8: memref<2x!tpu.dma_semaphore, #tpu.memory_space<semaphore_mem>>, %arg9: memref<2x!tpu.dma_semaphore, #tpu.memory_space<semaphore_mem>>) attributes {dimension_semantics = [#tpu.dimension_semantics<core_parallel>, #tpu.dimension_semantics<subcore_parallel>], iteration_bounds = array<i64: 2, 16>, scalar_prefetch = 0 : i64, scratch_operands = 5 : i64, tpu.core_type = #tpu.core_type<sc_vector_subcore>, window_params = [{transform_indices = #map}, {transform_indices = #map}, {transform_indices = #map1}]} {
    %mul3A = arith.constant 2 : i32
    %mul3A_0 = arith.muli %arg1, %mul3A : i32
    %add3A = arith.addi %mul3A_0, %arg0 : i32
    %mul3A_1 = arith.constant 512 : i32
    %mul3A_2 = arith.muli %add3A, %mul3A_1 : i32
    %add3A_3 = arith.constant 0 : i32
    %add3A_4 = arith.addi %mul3A_2, %add3A_3 : i32
    %multiple_of3A = tpu.assume_multiple %add3A_4, 8 : i32
    %dma_start3A = arith.constant 0 : i32
    %dma_start3A_5 = arith.constant 0 : i32
    %dma_start3A_6 = arith.constant 0 : i32
    %dma_start3A_7 = arith.constant 0 : i32
    %dma_start3A_8 = tpu.memref_slice %arg5[%dma_start3A, %dma_start3A_6, %dma_start3A_7] : memref<2x8x50xi32, #tpu.memory_space<vmem>> -> memref<1x8x50xi32, #tpu.memory_space<vmem>>
    %dma_start3A_9 = tpu.memref_squeeze %dma_start3A_8 : memref<1x8x50xi32, #tpu.memory_space<vmem>> -> memref<8x50xi32, #tpu.memory_space<vmem>>
    %dma_start3A_10 = arith.constant 0 : i32
    %dma_start3A_11 = tpu.memref_slice %arg2[%multiple_of3A, %dma_start3A_10] : memref<16384x50xi32, #tpu.memory_space<hbm>> -> memref<8x50xi32, #tpu.memory_space<hbm>>
    %dma_start3A_12 = tpu.memref_slice %arg7[%dma_start3A_5] : memref<2x!tpu.dma_semaphore, #tpu.memory_space<semaphore_mem>> -> memref<1x!tpu.dma_semaphore, #tpu.memory_space<semaphore_mem>>
    %dma_start3A_13 = tpu.memref_squeeze %dma_start3A_12 : memref<1x!tpu.dma_semaphore, #tpu.memory_space<semaphore_mem>> -> memref<!tpu.dma_semaphore, #tpu.memory_space<semaphore_mem>>
    %dma_start3A_14 = arith.constant 0 : i32
    %dma_start3A_15 = arith.constant 0 : i32
    %dma_start3A_16 = tpu.memref_slice %arg5[%dma_start3A, %dma_start3A_14, %dma_start3A_15] : memref<2x8x50xi32, #tpu.memory_space<vmem>> -> memref<1x8x50xi32, #tpu.memory_space<vmem>>
    %dma_start3A_17 = tpu.memref_squeeze %dma_start3A_16 : memref<1x8x50xi32, #tpu.memory_space<vmem>> -> memref<8x50xi32, #tpu.memory_space<vmem>>
    %dma_start3A_18 = arith.constant 0 : i32
    %dma_start3A_19 = tpu.memref_slice %arg2[%multiple_of3A, %dma_start3A_18] : memref<16384x50xi32, #tpu.memory_space<hbm>> -> memref<8x50xi32, #tpu.memory_space<hbm>>
    tpu.enqueue_dma source(%dma_start3A_19 : memref<8x50xi32, #tpu.memory_space<hbm>>) target(%dma_start3A_17 : memref<8x50xi32, #tpu.memory_space<vmem>>) target_semaphore(%dma_start3A_13 : memref<!tpu.dma_semaphore, #tpu.memory_space<semaphore_mem>>)
    %scan3A = arith.constant 0 : i32
    %scan3A_20 = arith.constant 0 : i32
    %scan3A_21 = arith.constant 64 : i32
    %scan3A_22 = arith.addi %scan3A_20, %scan3A_21 : i32
    %scan3A_23 = arith.constant 1 : i32
    scf.for %scan3A_71 = %scan3A_20 to %scan3A_22 step %scan3A_23  : i32 {
      %rem3A_72 = arith.constant 2 : i32
      %rem3A_73 = arith.remsi %scan3A_71, %rem3A_72 : i32
      %ge3A = arith.constant 2 : i32
      %ge3A_74 = arith.cmpi sge, %scan3A_71, %ge3A : i32
      %convert_element_type3A = arith.extui %ge3A_74 : i1 to i32
      %cond3A = arith.constant 0 : i32
      %cond3A_75 = arith.cmpi ne, %convert_element_type3A, %cond3A : i32
      scf.if %cond3A_75 {
        %sub3A = arith.constant 2 : i32
        %sub3A_346 = arith.subi %scan3A_71, %sub3A : i32
        %mul3A_347 = arith.constant 8 : i32
        %mul3A_348 = arith.muli %sub3A_346, %mul3A_347 : i32
        %add3A_349 = arith.addi %mul3A_2, %mul3A_348 : i32
        %multiple_of3A_350 = tpu.assume_multiple %add3A_349, 8 : i32
        %dma_wait3A_351 = arith.constant 0 : i32
        %dma_wait3A_352 = arith.constant 0 : i32
        %dma_wait3A_353 = arith.constant 0 : i32
        %dma_wait3A_354 = tpu.memref_slice %arg6[%rem3A_73, %dma_wait3A_351, %dma_wait3A_352, %dma_wait3A_353] : memref<2x8x50x64xf32, #tpu.memory_space<vmem>> -> memref<1x8x50x64xf32, #tpu.memory_space<vmem>>
        %dma_wait3A_355 = tpu.memref_squeeze %dma_wait3A_354 : memref<1x8x50x64xf32, #tpu.memory_space<vmem>> -> memref<8x50x64xf32, #tpu.memory_space<vmem>>
        %dma_wait3A_356 = arith.constant 0 : i32
        %dma_wait3A_357 = arith.constant 0 : i32
        %dma_wait3A_358 = tpu.memref_slice %arg4[%multiple_of3A_350, %dma_wait3A_356, %dma_wait3A_357] : memref<16384x50x64xf32, #tpu.memory_space<hbm>> -> memref<8x50x64xf32, #tpu.memory_space<hbm>>
        %dma_wait3A_359 = tpu.memref_slice %arg9[%rem3A_73] : memref<2x!tpu.dma_semaphore, #tpu.memory_space<semaphore_mem>> -> memref<1x!tpu.dma_semaphore, #tpu.memory_space<semaphore_mem>>
        %dma_wait3A_360 = tpu.memref_squeeze %dma_wait3A_359 : memref<1x!tpu.dma_semaphore, #tpu.memory_space<semaphore_mem>> -> memref<!tpu.dma_semaphore, #tpu.memory_space<semaphore_mem>>
        %dma_wait3A_361 = arith.constant 0 : i32
        %dma_wait3A_362 = arith.constant 0 : i32
        %dma_wait3A_363 = tpu.memref_slice %arg4[%multiple_of3A_350, %dma_wait3A_361, %dma_wait3A_362] : memref<16384x50x64xf32, #tpu.memory_space<hbm>> -> memref<8x50x64xf32, #tpu.memory_space<hbm>>
        %dma_wait3A_364 = arith.constant 0 : i32
        %dma_wait3A_365 = arith.constant 0 : i32
        %dma_wait3A_366 = arith.constant 0 : i32
        %dma_wait3A_367 = tpu.memref_slice %arg6[%rem3A_73, %dma_wait3A_364, %dma_wait3A_365, %dma_wait3A_366] : memref<2x8x50x64xf32, #tpu.memory_space<vmem>> -> memref<1x8x50x64xf32, #tpu.memory_space<vmem>>
        %dma_wait3A_368 = tpu.memref_squeeze %dma_wait3A_367 : memref<1x8x50x64xf32, #tpu.memory_space<vmem>> -> memref<8x50x64xf32, #tpu.memory_space<vmem>>
        tpu.wait_dma2 semaphore(%dma_wait3A_360 : memref<!tpu.dma_semaphore, #tpu.memory_space<semaphore_mem>>) src(%dma_wait3A_368 : memref<8x50x64xf32, #tpu.memory_space<vmem>>) dst(%dma_wait3A_363 : memref<8x50x64xf32, #tpu.memory_space<hbm>>)
      } else {
      }
      %mul3A_76 = arith.constant 8 : i32
      %mul3A_77 = arith.muli %scan3A_71, %mul3A_76 : i32
      %add3A_78 = arith.addi %mul3A_2, %mul3A_77 : i32
      %multiple_of3A_79 = tpu.assume_multiple %add3A_78, 8 : i32
      %dma_wait3A_80 = arith.constant 0 : i32
      %dma_wait3A_81 = arith.constant 0 : i32
      %dma_wait3A_82 = tpu.memref_slice %arg5[%rem3A_73, %dma_wait3A_80, %dma_wait3A_81] : memref<2x8x50xi32, #tpu.memory_space<vmem>> -> memref<1x8x50xi32, #tpu.memory_space<vmem>>
      %dma_wait3A_83 = tpu.memref_squeeze %dma_wait3A_82 : memref<1x8x50xi32, #tpu.memory_space<vmem>> -> memref<8x50xi32, #tpu.memory_space<vmem>>
      %dma_wait3A_84 = arith.constant 0 : i32
      %dma_wait3A_85 = tpu.memref_slice %arg2[%multiple_of3A_79, %dma_wait3A_84] : memref<16384x50xi32, #tpu.memory_space<hbm>> -> memref<8x50xi32, #tpu.memory_space<hbm>>
      %dma_wait3A_86 = tpu.memref_slice %arg7[%rem3A_73] : memref<2x!tpu.dma_semaphore, #tpu.memory_space<semaphore_mem>> -> memref<1x!tpu.dma_semaphore, #tpu.memory_space<semaphore_mem>>
      %dma_wait3A_87 = tpu.memref_squeeze %dma_wait3A_86 : memref<1x!tpu.dma_semaphore, #tpu.memory_space<semaphore_mem>> -> memref<!tpu.dma_semaphore, #tpu.memory_space<semaphore_mem>>
      %dma_wait3A_88 = arith.constant 0 : i32
      %dma_wait3A_89 = arith.constant 0 : i32
      %dma_wait3A_90 = tpu.memref_slice %arg5[%rem3A_73, %dma_wait3A_88, %dma_wait3A_89] : memref<2x8x50xi32, #tpu.memory_space<vmem>> -> memref<1x8x50xi32, #tpu.memory_space<vmem>>
      %dma_wait3A_91 = tpu.memref_squeeze %dma_wait3A_90 : memref<1x8x50xi32, #tpu.memory_space<vmem>> -> memref<8x50xi32, #tpu.memory_space<vmem>>
      %dma_wait3A_92 = arith.constant 0 : i32
      %dma_wait3A_93 = tpu.memref_slice %arg2[%multiple_of3A_79, %dma_wait3A_92] : memref<16384x50xi32, #tpu.memory_space<hbm>> -> memref<8x50xi32, #tpu.memory_space<hbm>>
      tpu.wait_dma2 semaphore(%dma_wait3A_87 : memref<!tpu.dma_semaphore, #tpu.memory_space<semaphore_mem>>) src(%dma_wait3A_93 : memref<8x50xi32, #tpu.memory_space<hbm>>) dst(%dma_wait3A_91 : memref<8x50xi32, #tpu.memory_space<vmem>>)
      %dma_start3A_94 = arith.constant 0 : i32
      %dma_start3A_95 = arith.constant 0 : i32
      %dma_start3A_96 = arith.constant 0 : i32
      %dma_start3A_97 = arith.constant 0 : i32
      %dma_start3A_98 = tpu.memref_slice %arg6[%rem3A_73, %dma_start3A_95, %dma_start3A_96, %dma_start3A_97] : memref<2x8x50x64xf32, #tpu.memory_space<vmem>> -> memref<1x1x50x64xf32, #tpu.memory_space<vmem>>
      %dma_start3A_99 = tpu.memref_squeeze %dma_start3A_98 : memref<1x1x50x64xf32, #tpu.memory_space<vmem>> -> memref<50x64xf32, #tpu.memory_space<vmem>>
      %dma_start3A_100 = arith.constant 0 : i32
      %dma_start3A_101 = tpu.memref_slice %arg5[%rem3A_73, %dma_start3A_94, %dma_start3A_100] : memref<2x8x50xi32, #tpu.memory_space<vmem>> -> memref<1x1x50xi32, #tpu.memory_space<vmem>>
      %dma_start3A_102 = tpu.memref_squeeze %dma_start3A_101 : memref<1x1x50xi32, #tpu.memory_space<vmem>> -> memref<50xi32, #tpu.memory_space<vmem>>
      %dma_start3A_103 = arith.constant 0 : i32
      %dma_start3A_104 = arith.constant 0 : i32
      %dma_start3A_105 = tpu.memref_slice %arg3[%dma_start3A_103, %dma_start3A_104] : memref<1000000x64xf32, #tpu.memory_space<hbm>> -> memref<1000000x64xf32, #tpu.memory_space<hbm>>
      %dma_start3A_106 = tpu.memref_slice %arg8[%rem3A_73] : memref<2x!tpu.dma_semaphore, #tpu.memory_space<semaphore_mem>> -> memref<1x!tpu.dma_semaphore, #tpu.memory_space<semaphore_mem>>
      %dma_start3A_107 = tpu.memref_squeeze %dma_start3A_106 : memref<1x!tpu.dma_semaphore, #tpu.memory_space<semaphore_mem>> -> memref<!tpu.dma_semaphore, #tpu.memory_space<semaphore_mem>>
      tpu.enqueue_indirect_dma source(%dma_start3A_105 : memref<1000000x64xf32, #tpu.memory_space<hbm>>) target(%dma_start3A_99 : memref<50x64xf32, #tpu.memory_space<vmem>>) offsets(%dma_start3A_102 : memref<50xi32, #tpu.memory_space<vmem>>) semaphore(%dma_start3A_107 : memref<!tpu.dma_semaphore, #tpu.memory_space<semaphore_mem>>)
      %dma_start3A_108 = arith.constant 1 : i32
      %dma_start3A_109 = arith.constant 1 : i32
      %dma_start3A_110 = arith.constant 0 : i32
      %dma_start3A_111 = arith.constant 0 : i32
      %dma_start3A_112 = tpu.memref_slice %arg6[%rem3A_73, %dma_start3A_109, %dma_start3A_110, %dma_start3A_111] : memref<2x8x50x64xf32, #tpu.memory_space<vmem>> -> memref<1x1x50x64xf32, #tpu.memory_space<vmem>>
      %dma_start3A_113 = tpu.memref_squeeze %dma_start3A_112 : memref<1x1x50x64xf32, #tpu.memory_space<vmem>> -> memref<50x64xf32, #tpu.memory_space<vmem>>
      %dma_start3A_114 = arith.constant 0 : i32
      %dma_start3A_115 = tpu.memref_slice %arg5[%rem3A_73, %dma_start3A_108, %dma_start3A_114] : memref<2x8x50xi32, #tpu.memory_space<vmem>> -> memref<1x1x50xi32, #tpu.memory_space<vmem>>
      %dma_start3A_116 = tpu.memref_squeeze %dma_start3A_115 : memref<1x1x50xi32, #tpu.memory_space<vmem>> -> memref<50xi32, #tpu.memory_space<vmem>>
      %dma_start3A_117 = arith.constant 0 : i32
      %dma_start3A_118 = arith.constant 0 : i32
      %dma_start3A_119 = tpu.memref_slice %arg3[%dma_start3A_117, %dma_start3A_118] : memref<1000000x64xf32, #tpu.memory_space<hbm>> -> memref<1000000x64xf32, #tpu.memory_space<hbm>>
      %dma_start3A_120 = tpu.memref_slice %arg8[%rem3A_73] : memref<2x!tpu.dma_semaphore, #tpu.memory_space<semaphore_mem>> -> memref<1x!tpu.dma_semaphore, #tpu.memory_space<semaphore_mem>>
      %dma_start3A_121 = tpu.memref_squeeze %dma_start3A_120 : memref<1x!tpu.dma_semaphore, #tpu.memory_space<semaphore_mem>> -> memref<!tpu.dma_semaphore, #tpu.memory_space<semaphore_mem>>
      tpu.enqueue_indirect_dma source(%dma_start3A_119 : memref<1000000x64xf32, #tpu.memory_space<hbm>>) target(%dma_start3A_113 : memref<50x64xf32, #tpu.memory_space<vmem>>) offsets(%dma_start3A_116 : memref<50xi32, #tpu.memory_space<vmem>>) semaphore(%dma_start3A_121 : memref<!tpu.dma_semaphore, #tpu.memory_space<semaphore_mem>>)
      %dma_start3A_122 = arith.constant 2 : i32
      %dma_start3A_123 = arith.constant 2 : i32
      %dma_start3A_124 = arith.constant 0 : i32
      %dma_start3A_125 = arith.constant 0 : i32
      %dma_start3A_126 = tpu.memref_slice %arg6[%rem3A_73, %dma_start3A_123, %dma_start3A_124, %dma_start3A_125] : memref<2x8x50x64xf32, #tpu.memory_space<vmem>> -> memref<1x1x50x64xf32, #tpu.memory_space<vmem>>
      %dma_start3A_127 = tpu.memref_squeeze %dma_start3A_126 : memref<1x1x50x64xf32, #tpu.memory_space<vmem>> -> memref<50x64xf32, #tpu.memory_space<vmem>>
      %dma_start3A_128 = arith.constant 0 : i32
      %dma_start3A_129 = tpu.memref_slice %arg5[%rem3A_73, %dma_start3A_122, %dma_start3A_128] : memref<2x8x50xi32, #tpu.memory_space<vmem>> -> memref<1x1x50xi32, #tpu.memory_space<vmem>>
      %dma_start3A_130 = tpu.memref_squeeze %dma_start3A_129 : memref<1x1x50xi32, #tpu.memory_space<vmem>> -> memref<50xi32, #tpu.memory_space<vmem>>
      %dma_start3A_131 = arith.constant 0 : i32
      %dma_start3A_132 = arith.constant 0 : i32
      %dma_start3A_133 = tpu.memref_slice %arg3[%dma_start3A_131, %dma_start3A_132] : memref<1000000x64xf32, #tpu.memory_space<hbm>> -> memref<1000000x64xf32, #tpu.memory_space<hbm>>
      %dma_start3A_134 = tpu.memref_slice %arg8[%rem3A_73] : memref<2x!tpu.dma_semaphore, #tpu.memory_space<semaphore_mem>> -> memref<1x!tpu.dma_semaphore, #tpu.memory_space<semaphore_mem>>
      %dma_start3A_135 = tpu.memref_squeeze %dma_start3A_134 : memref<1x!tpu.dma_semaphore, #tpu.memory_space<semaphore_mem>> -> memref<!tpu.dma_semaphore, #tpu.memory_space<semaphore_mem>>
      tpu.enqueue_indirect_dma source(%dma_start3A_133 : memref<1000000x64xf32, #tpu.memory_space<hbm>>) target(%dma_start3A_127 : memref<50x64xf32, #tpu.memory_space<vmem>>) offsets(%dma_start3A_130 : memref<50xi32, #tpu.memory_space<vmem>>) semaphore(%dma_start3A_135 : memref<!tpu.dma_semaphore, #tpu.memory_space<semaphore_mem>>)
      %dma_start3A_136 = arith.constant 3 : i32
      %dma_start3A_137 = arith.constant 3 : i32
      %dma_start3A_138 = arith.constant 0 : i32
      %dma_start3A_139 = arith.constant 0 : i32
      %dma_start3A_140 = tpu.memref_slice %arg6[%rem3A_73, %dma_start3A_137, %dma_start3A_138, %dma_start3A_139] : memref<2x8x50x64xf32, #tpu.memory_space<vmem>> -> memref<1x1x50x64xf32, #tpu.memory_space<vmem>>
      %dma_start3A_141 = tpu.memref_squeeze %dma_start3A_140 : memref<1x1x50x64xf32, #tpu.memory_space<vmem>> -> memref<50x64xf32, #tpu.memory_space<vmem>>
      %dma_start3A_142 = arith.constant 0 : i32
      %dma_start3A_143 = tpu.memref_slice %arg5[%rem3A_73, %dma_start3A_136, %dma_start3A_142] : memref<2x8x50xi32, #tpu.memory_space<vmem>> -> memref<1x1x50xi32, #tpu.memory_space<vmem>>
      %dma_start3A_144 = tpu.memref_squeeze %dma_start3A_143 : memref<1x1x50xi32, #tpu.memory_space<vmem>> -> memref<50xi32, #tpu.memory_space<vmem>>
      %dma_start3A_145 = arith.constant 0 : i32
      %dma_start3A_146 = arith.constant 0 : i32
      %dma_start3A_147 = tpu.memref_slice %arg3[%dma_start3A_145, %dma_start3A_146] : memref<1000000x64xf32, #tpu.memory_space<hbm>> -> memref<1000000x64xf32, #tpu.memory_space<hbm>>
      %dma_start3A_148 = tpu.memref_slice %arg8[%rem3A_73] : memref<2x!tpu.dma_semaphore, #tpu.memory_space<semaphore_mem>> -> memref<1x!tpu.dma_semaphore, #tpu.memory_space<semaphore_mem>>
      %dma_start3A_149 = tpu.memref_squeeze %dma_start3A_148 : memref<1x!tpu.dma_semaphore, #tpu.memory_space<semaphore_mem>> -> memref<!tpu.dma_semaphore, #tpu.memory_space<semaphore_mem>>
      tpu.enqueue_indirect_dma source(%dma_start3A_147 : memref<1000000x64xf32, #tpu.memory_space<hbm>>) target(%dma_start3A_141 : memref<50x64xf32, #tpu.memory_space<vmem>>) offsets(%dma_start3A_144 : memref<50xi32, #tpu.memory_space<vmem>>) semaphore(%dma_start3A_149 : memref<!tpu.dma_semaphore, #tpu.memory_space<semaphore_mem>>)
      %dma_start3A_150 = arith.constant 4 : i32
      %dma_start3A_151 = arith.constant 4 : i32
      %dma_start3A_152 = arith.constant 0 : i32
      %dma_start3A_153 = arith.constant 0 : i32
      %dma_start3A_154 = tpu.memref_slice %arg6[%rem3A_73, %dma_start3A_151, %dma_start3A_152, %dma_start3A_153] : memref<2x8x50x64xf32, #tpu.memory_space<vmem>> -> memref<1x1x50x64xf32, #tpu.memory_space<vmem>>
      %dma_start3A_155 = tpu.memref_squeeze %dma_start3A_154 : memref<1x1x50x64xf32, #tpu.memory_space<vmem>> -> memref<50x64xf32, #tpu.memory_space<vmem>>
      %dma_start3A_156 = arith.constant 0 : i32
      %dma_start3A_157 = tpu.memref_slice %arg5[%rem3A_73, %dma_start3A_150, %dma_start3A_156] : memref<2x8x50xi32, #tpu.memory_space<vmem>> -> memref<1x1x50xi32, #tpu.memory_space<vmem>>
      %dma_start3A_158 = tpu.memref_squeeze %dma_start3A_157 : memref<1x1x50xi32, #tpu.memory_space<vmem>> -> memref<50xi32, #tpu.memory_space<vmem>>
      %dma_start3A_159 = arith.constant 0 : i32
      %dma_start3A_160 = arith.constant 0 : i32
      %dma_start3A_161 = tpu.memref_slice %arg3[%dma_start3A_159, %dma_start3A_160] : memref<1000000x64xf32, #tpu.memory_space<hbm>> -> memref<1000000x64xf32, #tpu.memory_space<hbm>>
      %dma_start3A_162 = tpu.memref_slice %arg8[%rem3A_73] : memref<2x!tpu.dma_semaphore, #tpu.memory_space<semaphore_mem>> -> memref<1x!tpu.dma_semaphore, #tpu.memory_space<semaphore_mem>>
      %dma_start3A_163 = tpu.memref_squeeze %dma_start3A_162 : memref<1x!tpu.dma_semaphore, #tpu.memory_space<semaphore_mem>> -> memref<!tpu.dma_semaphore, #tpu.memory_space<semaphore_mem>>
      tpu.enqueue_indirect_dma source(%dma_start3A_161 : memref<1000000x64xf32, #tpu.memory_space<hbm>>) target(%dma_start3A_155 : memref<50x64xf32, #tpu.memory_space<vmem>>) offsets(%dma_start3A_158 : memref<50xi32, #tpu.memory_space<vmem>>) semaphore(%dma_start3A_163 : memref<!tpu.dma_semaphore, #tpu.memory_space<semaphore_mem>>)
      %dma_start3A_164 = arith.constant 5 : i32
      %dma_start3A_165 = arith.constant 5 : i32
      %dma_start3A_166 = arith.constant 0 : i32
      %dma_start3A_167 = arith.constant 0 : i32
      %dma_start3A_168 = tpu.memref_slice %arg6[%rem3A_73, %dma_start3A_165, %dma_start3A_166, %dma_start3A_167] : memref<2x8x50x64xf32, #tpu.memory_space<vmem>> -> memref<1x1x50x64xf32, #tpu.memory_space<vmem>>
      %dma_start3A_169 = tpu.memref_squeeze %dma_start3A_168 : memref<1x1x50x64xf32, #tpu.memory_space<vmem>> -> memref<50x64xf32, #tpu.memory_space<vmem>>
      %dma_start3A_170 = arith.constant 0 : i32
      %dma_start3A_171 = tpu.memref_slice %arg5[%rem3A_73, %dma_start3A_164, %dma_start3A_170] : memref<2x8x50xi32, #tpu.memory_space<vmem>> -> memref<1x1x50xi32, #tpu.memory_space<vmem>>
      %dma_start3A_172 = tpu.memref_squeeze %dma_start3A_171 : memref<1x1x50xi32, #tpu.memory_space<vmem>> -> memref<50xi32, #tpu.memory_space<vmem>>
      %dma_start3A_173 = arith.constant 0 : i32
      %dma_start3A_174 = arith.constant 0 : i32
      %dma_start3A_175 = tpu.memref_slice %arg3[%dma_start3A_173, %dma_start3A_174] : memref<1000000x64xf32, #tpu.memory_space<hbm>> -> memref<1000000x64xf32, #tpu.memory_space<hbm>>
      %dma_start3A_176 = tpu.memref_slice %arg8[%rem3A_73] : memref<2x!tpu.dma_semaphore, #tpu.memory_space<semaphore_mem>> -> memref<1x!tpu.dma_semaphore, #tpu.memory_space<semaphore_mem>>
      %dma_start3A_177 = tpu.memref_squeeze %dma_start3A_176 : memref<1x!tpu.dma_semaphore, #tpu.memory_space<semaphore_mem>> -> memref<!tpu.dma_semaphore, #tpu.memory_space<semaphore_mem>>
      tpu.enqueue_indirect_dma source(%dma_start3A_175 : memref<1000000x64xf32, #tpu.memory_space<hbm>>) target(%dma_start3A_169 : memref<50x64xf32, #tpu.memory_space<vmem>>) offsets(%dma_start3A_172 : memref<50xi32, #tpu.memory_space<vmem>>) semaphore(%dma_start3A_177 : memref<!tpu.dma_semaphore, #tpu.memory_space<semaphore_mem>>)
      %dma_start3A_178 = arith.constant 6 : i32
      %dma_start3A_179 = arith.constant 6 : i32
      %dma_start3A_180 = arith.constant 0 : i32
      %dma_start3A_181 = arith.constant 0 : i32
      %dma_start3A_182 = tpu.memref_slice %arg6[%rem3A_73, %dma_start3A_179, %dma_start3A_180, %dma_start3A_181] : memref<2x8x50x64xf32, #tpu.memory_space<vmem>> -> memref<1x1x50x64xf32, #tpu.memory_space<vmem>>
      %dma_start3A_183 = tpu.memref_squeeze %dma_start3A_182 : memref<1x1x50x64xf32, #tpu.memory_space<vmem>> -> memref<50x64xf32, #tpu.memory_space<vmem>>
      %dma_start3A_184 = arith.constant 0 : i32
      %dma_start3A_185 = tpu.memref_slice %arg5[%rem3A_73, %dma_start3A_178, %dma_start3A_184] : memref<2x8x50xi32, #tpu.memory_space<vmem>> -> memref<1x1x50xi32, #tpu.memory_space<vmem>>
      %dma_start3A_186 = tpu.memref_squeeze %dma_start3A_185 : memref<1x1x50xi32, #tpu.memory_space<vmem>> -> memref<50xi32, #tpu.memory_space<vmem>>
      %dma_start3A_187 = arith.constant 0 : i32
      %dma_start3A_188 = arith.constant 0 : i32
      %dma_start3A_189 = tpu.memref_slice %arg3[%dma_start3A_187, %dma_start3A_188] : memref<1000000x64xf32, #tpu.memory_space<hbm>> -> memref<1000000x64xf32, #tpu.memory_space<hbm>>
      %dma_start3A_190 = tpu.memref_slice %arg8[%rem3A_73] : memref<2x!tpu.dma_semaphore, #tpu.memory_space<semaphore_mem>> -> memref<1x!tpu.dma_semaphore, #tpu.memory_space<semaphore_mem>>
      %dma_start3A_191 = tpu.memref_squeeze %dma_start3A_190 : memref<1x!tpu.dma_semaphore, #tpu.memory_space<semaphore_mem>> -> memref<!tpu.dma_semaphore, #tpu.memory_space<semaphore_mem>>
      tpu.enqueue_indirect_dma source(%dma_start3A_189 : memref<1000000x64xf32, #tpu.memory_space<hbm>>) target(%dma_start3A_183 : memref<50x64xf32, #tpu.memory_space<vmem>>) offsets(%dma_start3A_186 : memref<50xi32, #tpu.memory_space<vmem>>) semaphore(%dma_start3A_191 : memref<!tpu.dma_semaphore, #tpu.memory_space<semaphore_mem>>)
      %dma_start3A_192 = arith.constant 7 : i32
      %dma_start3A_193 = arith.constant 7 : i32
      %dma_start3A_194 = arith.constant 0 : i32
      %dma_start3A_195 = arith.constant 0 : i32
      %dma_start3A_196 = tpu.memref_slice %arg6[%rem3A_73, %dma_start3A_193, %dma_start3A_194, %dma_start3A_195] : memref<2x8x50x64xf32, #tpu.memory_space<vmem>> -> memref<1x1x50x64xf32, #tpu.memory_space<vmem>>
      %dma_start3A_197 = tpu.memref_squeeze %dma_start3A_196 : memref<1x1x50x64xf32, #tpu.memory_space<vmem>> -> memref<50x64xf32, #tpu.memory_space<vmem>>
      %dma_start3A_198 = arith.constant 0 : i32
      %dma_start3A_199 = tpu.memref_slice %arg5[%rem3A_73, %dma_start3A_192, %dma_start3A_198] : memref<2x8x50xi32, #tpu.memory_space<vmem>> -> memref<1x1x50xi32, #tpu.memory_space<vmem>>
      %dma_start3A_200 = tpu.memref_squeeze %dma_start3A_199 : memref<1x1x50xi32, #tpu.memory_space<vmem>> -> memref<50xi32, #tpu.memory_space<vmem>>
      %dma_start3A_201 = arith.constant 0 : i32
      %dma_start3A_202 = arith.constant 0 : i32
      %dma_start3A_203 = tpu.memref_slice %arg3[%dma_start3A_201, %dma_start3A_202] : memref<1000000x64xf32, #tpu.memory_space<hbm>> -> memref<1000000x64xf32, #tpu.memory_space<hbm>>
      %dma_start3A_204 = tpu.memref_slice %arg8[%rem3A_73] : memref<2x!tpu.dma_semaphore, #tpu.memory_space<semaphore_mem>> -> memref<1x!tpu.dma_semaphore, #tpu.memory_space<semaphore_mem>>
      %dma_start3A_205 = tpu.memref_squeeze %dma_start3A_204 : memref<1x!tpu.dma_semaphore, #tpu.memory_space<semaphore_mem>> -> memref<!tpu.dma_semaphore, #tpu.memory_space<semaphore_mem>>
      tpu.enqueue_indirect_dma source(%dma_start3A_203 : memref<1000000x64xf32, #tpu.memory_space<hbm>>) target(%dma_start3A_197 : memref<50x64xf32, #tpu.memory_space<vmem>>) offsets(%dma_start3A_200 : memref<50xi32, #tpu.memory_space<vmem>>) semaphore(%dma_start3A_205 : memref<!tpu.dma_semaphore, #tpu.memory_space<semaphore_mem>>)
      %add3A_206 = arith.constant 1 : i32
      %add3A_207 = arith.addi %scan3A_71, %add3A_206 : i32
      %lt3A = arith.constant 64 : i32
      %lt3A_208 = arith.cmpi slt, %add3A_207, %lt3A : i32
      %convert_element_type3A_209 = arith.extui %lt3A_208 : i1 to i32
      %cond3A_210 = arith.constant 0 : i32
      %cond3A_211 = arith.cmpi ne, %convert_element_type3A_209, %cond3A_210 : i32
      scf.if %cond3A_211 {
        %add3A_346 = arith.constant 1 : i32
        %add3A_347 = arith.addi %scan3A_71, %add3A_346 : i32
        %sub3A = arith.constant 1 : i32
        %sub3A_348 = arith.subi %sub3A, %rem3A_73 : i32
        %mul3A_349 = arith.constant 8 : i32
        %mul3A_350 = arith.muli %add3A_347, %mul3A_349 : i32
        %add3A_351 = arith.addi %mul3A_2, %mul3A_350 : i32
        %multiple_of3A_352 = tpu.assume_multiple %add3A_351, 8 : i32
        %dma_start3A_353 = arith.constant 0 : i32
        %dma_start3A_354 = arith.constant 0 : i32
        %dma_start3A_355 = tpu.memref_slice %arg5[%sub3A_348, %dma_start3A_353, %dma_start3A_354] : memref<2x8x50xi32, #tpu.memory_space<vmem>> -> memref<1x8x50xi32, #tpu.memory_space<vmem>>
        %dma_start3A_356 = tpu.memref_squeeze %dma_start3A_355 : memref<1x8x50xi32, #tpu.memory_space<vmem>> -> memref<8x50xi32, #tpu.memory_space<vmem>>
        %dma_start3A_357 = arith.constant 0 : i32
        %dma_start3A_358 = tpu.memref_slice %arg2[%multiple_of3A_352, %dma_start3A_357] : memref<16384x50xi32, #tpu.memory_space<hbm>> -> memref<8x50xi32, #tpu.memory_space<hbm>>
        %dma_start3A_359 = tpu.memref_slice %arg7[%sub3A_348] : memref<2x!tpu.dma_semaphore, #tpu.memory_space<semaphore_mem>> -> memref<1x!tpu.dma_semaphore, #tpu.memory_space<semaphore_mem>>
        %dma_start3A_360 = tpu.memref_squeeze %dma_start3A_359 : memref<1x!tpu.dma_semaphore, #tpu.memory_space<semaphore_mem>> -> memref<!tpu.dma_semaphore, #tpu.memory_space<semaphore_mem>>
        %dma_start3A_361 = arith.constant 0 : i32
        %dma_start3A_362 = arith.constant 0 : i32
        %dma_start3A_363 = tpu.memref_slice %arg5[%sub3A_348, %dma_start3A_361, %dma_start3A_362] : memref<2x8x50xi32, #tpu.memory_space<vmem>> -> memref<1x8x50xi32, #tpu.memory_space<vmem>>
        %dma_start3A_364 = tpu.memref_squeeze %dma_start3A_363 : memref<1x8x50xi32, #tpu.memory_space<vmem>> -> memref<8x50xi32, #tpu.memory_space<vmem>>
        %dma_start3A_365 = arith.constant 0 : i32
        %dma_start3A_366 = tpu.memref_slice %arg2[%multiple_of3A_352, %dma_start3A_365] : memref<16384x50xi32, #tpu.memory_space<hbm>> -> memref<8x50xi32, #tpu.memory_space<hbm>>
        tpu.enqueue_dma source(%dma_start3A_366 : memref<8x50xi32, #tpu.memory_space<hbm>>) target(%dma_start3A_364 : memref<8x50xi32, #tpu.memory_space<vmem>>) target_semaphore(%dma_start3A_360 : memref<!tpu.dma_semaphore, #tpu.memory_space<semaphore_mem>>)
      } else {
      }
      %dma_wait3A_212 = arith.constant 0 : i32
      %dma_wait3A_213 = arith.constant 0 : i32
      %dma_wait3A_214 = arith.constant 0 : i32
      %dma_wait3A_215 = arith.constant 0 : i32
      %dma_wait3A_216 = tpu.memref_slice %arg6[%rem3A_73, %dma_wait3A_213, %dma_wait3A_214, %dma_wait3A_215] : memref<2x8x50x64xf32, #tpu.memory_space<vmem>> -> memref<1x1x50x64xf32, #tpu.memory_space<vmem>>
      %dma_wait3A_217 = tpu.memref_squeeze %dma_wait3A_216 : memref<1x1x50x64xf32, #tpu.memory_space<vmem>> -> memref<50x64xf32, #tpu.memory_space<vmem>>
      %dma_wait3A_218 = arith.constant 0 : i32
      %dma_wait3A_219 = tpu.memref_slice %arg5[%rem3A_73, %dma_wait3A_212, %dma_wait3A_218] : memref<2x8x50xi32, #tpu.memory_space<vmem>> -> memref<1x1x50xi32, #tpu.memory_space<vmem>>
      %dma_wait3A_220 = tpu.memref_squeeze %dma_wait3A_219 : memref<1x1x50xi32, #tpu.memory_space<vmem>> -> memref<50xi32, #tpu.memory_space<vmem>>
      %dma_wait3A_221 = arith.constant 0 : i32
      %dma_wait3A_222 = arith.constant 0 : i32
      %dma_wait3A_223 = tpu.memref_slice %arg3[%dma_wait3A_221, %dma_wait3A_222] : memref<1000000x64xf32, #tpu.memory_space<hbm>> -> memref<1000000x64xf32, #tpu.memory_space<hbm>>
      %dma_wait3A_224 = tpu.memref_slice %arg8[%rem3A_73] : memref<2x!tpu.dma_semaphore, #tpu.memory_space<semaphore_mem>> -> memref<1x!tpu.dma_semaphore, #tpu.memory_space<semaphore_mem>>
      %dma_wait3A_225 = tpu.memref_squeeze %dma_wait3A_224 : memref<1x!tpu.dma_semaphore, #tpu.memory_space<semaphore_mem>> -> memref<!tpu.dma_semaphore, #tpu.memory_space<semaphore_mem>>
      tpu.wait_indirect_dma semaphore(%dma_wait3A_225 : memref<!tpu.dma_semaphore, #tpu.memory_space<semaphore_mem>>) src(%dma_wait3A_223 : memref<1000000x64xf32, #tpu.memory_space<hbm>>) dst(%dma_wait3A_217 : memref<50x64xf32, #tpu.memory_space<vmem>>)
      %dma_wait3A_226 = arith.constant 1 : i32
      %dma_wait3A_227 = arith.constant 1 : i32
      %dma_wait3A_228 = arith.constant 0 : i32
      %dma_wait3A_229 = arith.constant 0 : i32
      %dma_wait3A_230 = tpu.memref_slice %arg6[%rem3A_73, %dma_wait3A_227, %dma_wait3A_228, %dma_wait3A_229] : memref<2x8x50x64xf32, #tpu.memory_space<vmem>> -> memref<1x1x50x64xf32, #tpu.memory_space<vmem>>
      %dma_wait3A_231 = tpu.memref_squeeze %dma_wait3A_230 : memref<1x1x50x64xf32, #tpu.memory_space<vmem>> -> memref<50x64xf32, #tpu.memory_space<vmem>>
      %dma_wait3A_232 = arith.constant 0 : i32
      %dma_wait3A_233 = tpu.memref_slice %arg5[%rem3A_73, %dma_wait3A_226, %dma_wait3A_232] : memref<2x8x50xi32, #tpu.memory_space<vmem>> -> memref<1x1x50xi32, #tpu.memory_space<vmem>>
      %dma_wait3A_234 = tpu.memref_squeeze %dma_wait3A_233 : memref<1x1x50xi32, #tpu.memory_space<vmem>> -> memref<50xi32, #tpu.memory_space<vmem>>
      %dma_wait3A_235 = arith.constant 0 : i32
      %dma_wait3A_236 = arith.constant 0 : i32
      %dma_wait3A_237 = tpu.memref_slice %arg3[%dma_wait3A_235, %dma_wait3A_236] : memref<1000000x64xf32, #tpu.memory_space<hbm>> -> memref<1000000x64xf32, #tpu.memory_space<hbm>>
      %dma_wait3A_238 = tpu.memref_slice %arg8[%rem3A_73] : memref<2x!tpu.dma_semaphore, #tpu.memory_space<semaphore_mem>> -> memref<1x!tpu.dma_semaphore, #tpu.memory_space<semaphore_mem>>
      %dma_wait3A_239 = tpu.memref_squeeze %dma_wait3A_238 : memref<1x!tpu.dma_semaphore, #tpu.memory_space<semaphore_mem>> -> memref<!tpu.dma_semaphore, #tpu.memory_space<semaphore_mem>>
      tpu.wait_indirect_dma semaphore(%dma_wait3A_239 : memref<!tpu.dma_semaphore, #tpu.memory_space<semaphore_mem>>) src(%dma_wait3A_237 : memref<1000000x64xf32, #tpu.memory_space<hbm>>) dst(%dma_wait3A_231 : memref<50x64xf32, #tpu.memory_space<vmem>>)
      %dma_wait3A_240 = arith.constant 2 : i32
      %dma_wait3A_241 = arith.constant 2 : i32
      %dma_wait3A_242 = arith.constant 0 : i32
      %dma_wait3A_243 = arith.constant 0 : i32
      %dma_wait3A_244 = tpu.memref_slice %arg6[%rem3A_73, %dma_wait3A_241, %dma_wait3A_242, %dma_wait3A_243] : memref<2x8x50x64xf32, #tpu.memory_space<vmem>> -> memref<1x1x50x64xf32, #tpu.memory_space<vmem>>
      %dma_wait3A_245 = tpu.memref_squeeze %dma_wait3A_244 : memref<1x1x50x64xf32, #tpu.memory_space<vmem>> -> memref<50x64xf32, #tpu.memory_space<vmem>>
      %dma_wait3A_246 = arith.constant 0 : i32
      %dma_wait3A_247 = tpu.memref_slice %arg5[%rem3A_73, %dma_wait3A_240, %dma_wait3A_246] : memref<2x8x50xi32, #tpu.memory_space<vmem>> -> memref<1x1x50xi32, #tpu.memory_space<vmem>>
      %dma_wait3A_248 = tpu.memref_squeeze %dma_wait3A_247 : memref<1x1x50xi32, #tpu.memory_space<vmem>> -> memref<50xi32, #tpu.memory_space<vmem>>
      %dma_wait3A_249 = arith.constant 0 : i32
      %dma_wait3A_250 = arith.constant 0 : i32
      %dma_wait3A_251 = tpu.memref_slice %arg3[%dma_wait3A_249, %dma_wait3A_250] : memref<1000000x64xf32, #tpu.memory_space<hbm>> -> memref<1000000x64xf32, #tpu.memory_space<hbm>>
      %dma_wait3A_252 = tpu.memref_slice %arg8[%rem3A_73] : memref<2x!tpu.dma_semaphore, #tpu.memory_space<semaphore_mem>> -> memref<1x!tpu.dma_semaphore, #tpu.memory_space<semaphore_mem>>
      %dma_wait3A_253 = tpu.memref_squeeze %dma_wait3A_252 : memref<1x!tpu.dma_semaphore, #tpu.memory_space<semaphore_mem>> -> memref<!tpu.dma_semaphore, #tpu.memory_space<semaphore_mem>>
      tpu.wait_indirect_dma semaphore(%dma_wait3A_253 : memref<!tpu.dma_semaphore, #tpu.memory_space<semaphore_mem>>) src(%dma_wait3A_251 : memref<1000000x64xf32, #tpu.memory_space<hbm>>) dst(%dma_wait3A_245 : memref<50x64xf32, #tpu.memory_space<vmem>>)
      %dma_wait3A_254 = arith.constant 3 : i32
      %dma_wait3A_255 = arith.constant 3 : i32
      %dma_wait3A_256 = arith.constant 0 : i32
      %dma_wait3A_257 = arith.constant 0 : i32
      %dma_wait3A_258 = tpu.memref_slice %arg6[%rem3A_73, %dma_wait3A_255, %dma_wait3A_256, %dma_wait3A_257] : memref<2x8x50x64xf32, #tpu.memory_space<vmem>> -> memref<1x1x50x64xf32, #tpu.memory_space<vmem>>
      %dma_wait3A_259 = tpu.memref_squeeze %dma_wait3A_258 : memref<1x1x50x64xf32, #tpu.memory_space<vmem>> -> memref<50x64xf32, #tpu.memory_space<vmem>>
      %dma_wait3A_260 = arith.constant 0 : i32
      %dma_wait3A_261 = tpu.memref_slice %arg5[%rem3A_73, %dma_wait3A_254, %dma_wait3A_260] : memref<2x8x50xi32, #tpu.memory_space<vmem>> -> memref<1x1x50xi32, #tpu.memory_space<vmem>>
      %dma_wait3A_262 = tpu.memref_squeeze %dma_wait3A_261 : memref<1x1x50xi32, #tpu.memory_space<vmem>> -> memref<50xi32, #tpu.memory_space<vmem>>
      %dma_wait3A_263 = arith.constant 0 : i32
      %dma_wait3A_264 = arith.constant 0 : i32
      %dma_wait3A_265 = tpu.memref_slice %arg3[%dma_wait3A_263, %dma_wait3A_264] : memref<1000000x64xf32, #tpu.memory_space<hbm>> -> memref<1000000x64xf32, #tpu.memory_space<hbm>>
      %dma_wait3A_266 = tpu.memref_slice %arg8[%rem3A_73] : memref<2x!tpu.dma_semaphore, #tpu.memory_space<semaphore_mem>> -> memref<1x!tpu.dma_semaphore, #tpu.memory_space<semaphore_mem>>
      %dma_wait3A_267 = tpu.memref_squeeze %dma_wait3A_266 : memref<1x!tpu.dma_semaphore, #tpu.memory_space<semaphore_mem>> -> memref<!tpu.dma_semaphore, #tpu.memory_space<semaphore_mem>>
      tpu.wait_indirect_dma semaphore(%dma_wait3A_267 : memref<!tpu.dma_semaphore, #tpu.memory_space<semaphore_mem>>) src(%dma_wait3A_265 : memref<1000000x64xf32, #tpu.memory_space<hbm>>) dst(%dma_wait3A_259 : memref<50x64xf32, #tpu.memory_space<vmem>>)
      %dma_wait3A_268 = arith.constant 4 : i32
      %dma_wait3A_269 = arith.constant 4 : i32
      %dma_wait3A_270 = arith.constant 0 : i32
      %dma_wait3A_271 = arith.constant 0 : i32
      %dma_wait3A_272 = tpu.memref_slice %arg6[%rem3A_73, %dma_wait3A_269, %dma_wait3A_270, %dma_wait3A_271] : memref<2x8x50x64xf32, #tpu.memory_space<vmem>> -> memref<1x1x50x64xf32, #tpu.memory_space<vmem>>
      %dma_wait3A_273 = tpu.memref_squeeze %dma_wait3A_272 : memref<1x1x50x64xf32, #tpu.memory_space<vmem>> -> memref<50x64xf32, #tpu.memory_space<vmem>>
      %dma_wait3A_274 = arith.constant 0 : i32
      %dma_wait3A_275 = tpu.memref_slice %arg5[%rem3A_73, %dma_wait3A_268, %dma_wait3A_274] : memref<2x8x50xi32, #tpu.memory_space<vmem>> -> memref<1x1x50xi32, #tpu.memory_space<vmem>>
      %dma_wait3A_276 = tpu.memref_squeeze %dma_wait3A_275 : memref<1x1x50xi32, #tpu.memory_space<vmem>> -> memref<50xi32, #tpu.memory_space<vmem>>
      %dma_wait3A_277 = arith.constant 0 : i32
      %dma_wait3A_278 = arith.constant 0 : i32
      %dma_wait3A_279 = tpu.memref_slice %arg3[%dma_wait3A_277, %dma_wait3A_278] : memref<1000000x64xf32, #tpu.memory_space<hbm>> -> memref<1000000x64xf32, #tpu.memory_space<hbm>>
      %dma_wait3A_280 = tpu.memref_slice %arg8[%rem3A_73] : memref<2x!tpu.dma_semaphore, #tpu.memory_space<semaphore_mem>> -> memref<1x!tpu.dma_semaphore, #tpu.memory_space<semaphore_mem>>
      %dma_wait3A_281 = tpu.memref_squeeze %dma_wait3A_280 : memref<1x!tpu.dma_semaphore, #tpu.memory_space<semaphore_mem>> -> memref<!tpu.dma_semaphore, #tpu.memory_space<semaphore_mem>>
      tpu.wait_indirect_dma semaphore(%dma_wait3A_281 : memref<!tpu.dma_semaphore, #tpu.memory_space<semaphore_mem>>) src(%dma_wait3A_279 : memref<1000000x64xf32, #tpu.memory_space<hbm>>) dst(%dma_wait3A_273 : memref<50x64xf32, #tpu.memory_space<vmem>>)
      %dma_wait3A_282 = arith.constant 5 : i32
      %dma_wait3A_283 = arith.constant 5 : i32
      %dma_wait3A_284 = arith.constant 0 : i32
      %dma_wait3A_285 = arith.constant 0 : i32
      %dma_wait3A_286 = tpu.memref_slice %arg6[%rem3A_73, %dma_wait3A_283, %dma_wait3A_284, %dma_wait3A_285] : memref<2x8x50x64xf32, #tpu.memory_space<vmem>> -> memref<1x1x50x64xf32, #tpu.memory_space<vmem>>
      %dma_wait3A_287 = tpu.memref_squeeze %dma_wait3A_286 : memref<1x1x50x64xf32, #tpu.memory_space<vmem>> -> memref<50x64xf32, #tpu.memory_space<vmem>>
      %dma_wait3A_288 = arith.constant 0 : i32
      %dma_wait3A_289 = tpu.memref_slice %arg5[%rem3A_73, %dma_wait3A_282, %dma_wait3A_288] : memref<2x8x50xi32, #tpu.memory_space<vmem>> -> memref<1x1x50xi32, #tpu.memory_space<vmem>>
      %dma_wait3A_290 = tpu.memref_squeeze %dma_wait3A_289 : memref<1x1x50xi32, #tpu.memory_space<vmem>> -> memref<50xi32, #tpu.memory_space<vmem>>
      %dma_wait3A_291 = arith.constant 0 : i32
      %dma_wait3A_292 = arith.constant 0 : i32
      %dma_wait3A_293 = tpu.memref_slice %arg3[%dma_wait3A_291, %dma_wait3A_292] : memref<1000000x64xf32, #tpu.memory_space<hbm>> -> memref<1000000x64xf32, #tpu.memory_space<hbm>>
      %dma_wait3A_294 = tpu.memref_slice %arg8[%rem3A_73] : memref<2x!tpu.dma_semaphore, #tpu.memory_space<semaphore_mem>> -> memref<1x!tpu.dma_semaphore, #tpu.memory_space<semaphore_mem>>
      %dma_wait3A_295 = tpu.memref_squeeze %dma_wait3A_294 : memref<1x!tpu.dma_semaphore, #tpu.memory_space<semaphore_mem>> -> memref<!tpu.dma_semaphore, #tpu.memory_space<semaphore_mem>>
      tpu.wait_indirect_dma semaphore(%dma_wait3A_295 : memref<!tpu.dma_semaphore, #tpu.memory_space<semaphore_mem>>) src(%dma_wait3A_293 : memref<1000000x64xf32, #tpu.memory_space<hbm>>) dst(%dma_wait3A_287 : memref<50x64xf32, #tpu.memory_space<vmem>>)
      %dma_wait3A_296 = arith.constant 6 : i32
      %dma_wait3A_297 = arith.constant 6 : i32
      %dma_wait3A_298 = arith.constant 0 : i32
      %dma_wait3A_299 = arith.constant 0 : i32
      %dma_wait3A_300 = tpu.memref_slice %arg6[%rem3A_73, %dma_wait3A_297, %dma_wait3A_298, %dma_wait3A_299] : memref<2x8x50x64xf32, #tpu.memory_space<vmem>> -> memref<1x1x50x64xf32, #tpu.memory_space<vmem>>
      %dma_wait3A_301 = tpu.memref_squeeze %dma_wait3A_300 : memref<1x1x50x64xf32, #tpu.memory_space<vmem>> -> memref<50x64xf32, #tpu.memory_space<vmem>>
      %dma_wait3A_302 = arith.constant 0 : i32
      %dma_wait3A_303 = tpu.memref_slice %arg5[%rem3A_73, %dma_wait3A_296, %dma_wait3A_302] : memref<2x8x50xi32, #tpu.memory_space<vmem>> -> memref<1x1x50xi32, #tpu.memory_space<vmem>>
      %dma_wait3A_304 = tpu.memref_squeeze %dma_wait3A_303 : memref<1x1x50xi32, #tpu.memory_space<vmem>> -> memref<50xi32, #tpu.memory_space<vmem>>
      %dma_wait3A_305 = arith.constant 0 : i32
      %dma_wait3A_306 = arith.constant 0 : i32
      %dma_wait3A_307 = tpu.memref_slice %arg3[%dma_wait3A_305, %dma_wait3A_306] : memref<1000000x64xf32, #tpu.memory_space<hbm>> -> memref<1000000x64xf32, #tpu.memory_space<hbm>>
      %dma_wait3A_308 = tpu.memref_slice %arg8[%rem3A_73] : memref<2x!tpu.dma_semaphore, #tpu.memory_space<semaphore_mem>> -> memref<1x!tpu.dma_semaphore, #tpu.memory_space<semaphore_mem>>
      %dma_wait3A_309 = tpu.memref_squeeze %dma_wait3A_308 : memref<1x!tpu.dma_semaphore, #tpu.memory_space<semaphore_mem>> -> memref<!tpu.dma_semaphore, #tpu.memory_space<semaphore_mem>>
      tpu.wait_indirect_dma semaphore(%dma_wait3A_309 : memref<!tpu.dma_semaphore, #tpu.memory_space<semaphore_mem>>) src(%dma_wait3A_307 : memref<1000000x64xf32, #tpu.memory_space<hbm>>) dst(%dma_wait3A_301 : memref<50x64xf32, #tpu.memory_space<vmem>>)
      %dma_wait3A_310 = arith.constant 7 : i32
      %dma_wait3A_311 = arith.constant 7 : i32
      %dma_wait3A_312 = arith.constant 0 : i32
      %dma_wait3A_313 = arith.constant 0 : i32
      %dma_wait3A_314 = tpu.memref_slice %arg6[%rem3A_73, %dma_wait3A_311, %dma_wait3A_312, %dma_wait3A_313] : memref<2x8x50x64xf32, #tpu.memory_space<vmem>> -> memref<1x1x50x64xf32, #tpu.memory_space<vmem>>
      %dma_wait3A_315 = tpu.memref_squeeze %dma_wait3A_314 : memref<1x1x50x64xf32, #tpu.memory_space<vmem>> -> memref<50x64xf32, #tpu.memory_space<vmem>>
      %dma_wait3A_316 = arith.constant 0 : i32
      %dma_wait3A_317 = tpu.memref_slice %arg5[%rem3A_73, %dma_wait3A_310, %dma_wait3A_316] : memref<2x8x50xi32, #tpu.memory_space<vmem>> -> memref<1x1x50xi32, #tpu.memory_space<vmem>>
      %dma_wait3A_318 = tpu.memref_squeeze %dma_wait3A_317 : memref<1x1x50xi32, #tpu.memory_space<vmem>> -> memref<50xi32, #tpu.memory_space<vmem>>
      %dma_wait3A_319 = arith.constant 0 : i32
      %dma_wait3A_320 = arith.constant 0 : i32
      %dma_wait3A_321 = tpu.memref_slice %arg3[%dma_wait3A_319, %dma_wait3A_320] : memref<1000000x64xf32, #tpu.memory_space<hbm>> -> memref<1000000x64xf32, #tpu.memory_space<hbm>>
      %dma_wait3A_322 = tpu.memref_slice %arg8[%rem3A_73] : memref<2x!tpu.dma_semaphore, #tpu.memory_space<semaphore_mem>> -> memref<1x!tpu.dma_semaphore, #tpu.memory_space<semaphore_mem>>
      %dma_wait3A_323 = tpu.memref_squeeze %dma_wait3A_322 : memref<1x!tpu.dma_semaphore, #tpu.memory_space<semaphore_mem>> -> memref<!tpu.dma_semaphore, #tpu.memory_space<semaphore_mem>>
      tpu.wait_indirect_dma semaphore(%dma_wait3A_323 : memref<!tpu.dma_semaphore, #tpu.memory_space<semaphore_mem>>) src(%dma_wait3A_321 : memref<1000000x64xf32, #tpu.memory_space<hbm>>) dst(%dma_wait3A_315 : memref<50x64xf32, #tpu.memory_space<vmem>>)
      %mul3A_324 = arith.constant 8 : i32
      %mul3A_325 = arith.muli %scan3A_71, %mul3A_324 : i32
      %add3A_326 = arith.addi %mul3A_2, %mul3A_325 : i32
      %multiple_of3A_327 = tpu.assume_multiple %add3A_326, 8 : i32
      %dma_start3A_328 = arith.constant 0 : i32
      %dma_start3A_329 = arith.constant 0 : i32
      %dma_start3A_330 = arith.constant 0 : i32
      %dma_start3A_331 = tpu.memref_slice %arg6[%rem3A_73, %dma_start3A_328, %dma_start3A_329, %dma_start3A_330] : memref<2x8x50x64xf32, #tpu.memory_space<vmem>> -> memref<1x8x50x64xf32, #tpu.memory_space<vmem>>
      %dma_start3A_332 = tpu.memref_squeeze %dma_start3A_331 : memref<1x8x50x64xf32, #tpu.memory_space<vmem>> -> memref<8x50x64xf32, #tpu.memory_space<vmem>>
      %dma_start3A_333 = arith.constant 0 : i32
      %dma_start3A_334 = arith.constant 0 : i32
      %dma_start3A_335 = tpu.memref_slice %arg4[%multiple_of3A_327, %dma_start3A_333, %dma_start3A_334] : memref<16384x50x64xf32, #tpu.memory_space<hbm>> -> memref<8x50x64xf32, #tpu.memory_space<hbm>>
      %dma_start3A_336 = tpu.memref_slice %arg9[%rem3A_73] : memref<2x!tpu.dma_semaphore, #tpu.memory_space<semaphore_mem>> -> memref<1x!tpu.dma_semaphore, #tpu.memory_space<semaphore_mem>>
      %dma_start3A_337 = tpu.memref_squeeze %dma_start3A_336 : memref<1x!tpu.dma_semaphore, #tpu.memory_space<semaphore_mem>> -> memref<!tpu.dma_semaphore, #tpu.memory_space<semaphore_mem>>
      %dma_start3A_338 = arith.constant 0 : i32
      %dma_start3A_339 = arith.constant 0 : i32
      %dma_start3A_340 = tpu.memref_slice %arg4[%multiple_of3A_327, %dma_start3A_338, %dma_start3A_339] : memref<16384x50x64xf32, #tpu.memory_space<hbm>> -> memref<8x50x64xf32, #tpu.memory_space<hbm>>
      %dma_start3A_341 = arith.constant 0 : i32
      %dma_start3A_342 = arith.constant 0 : i32
      %dma_start3A_343 = arith.constant 0 : i32
      %dma_start3A_344 = tpu.memref_slice %arg6[%rem3A_73, %dma_start3A_341, %dma_start3A_342, %dma_start3A_343] : memref<2x8x50x64xf32, #tpu.memory_space<vmem>> -> memref<1x8x50x64xf32, #tpu.memory_space<vmem>>
      %dma_start3A_345 = tpu.memref_squeeze %dma_start3A_344 : memref<1x8x50x64xf32, #tpu.memory_space<vmem>> -> memref<8x50x64xf32, #tpu.memory_space<vmem>>
      tpu.enqueue_dma source(%dma_start3A_345 : memref<8x50x64xf32, #tpu.memory_space<vmem>>) target(%dma_start3A_340 : memref<8x50x64xf32, #tpu.memory_space<hbm>>) target_semaphore(%dma_start3A_337 : memref<!tpu.dma_semaphore, #tpu.memory_space<semaphore_mem>>)
    }
    %scan3A_24 = arith.constant 64 : i32
    %rem3A = arith.constant 62 : i32
    %rem3A_25 = arith.constant 2 : i32
    %rem3A_26 = arith.remsi %rem3A, %rem3A_25 : i32
    %add3A_27 = arith.constant 496 : i32
    %add3A_28 = arith.addi %mul3A_2, %add3A_27 : i32
    %multiple_of3A_29 = tpu.assume_multiple %add3A_28, 8 : i32
    %dma_wait3A = arith.constant 0 : i32
    %dma_wait3A_30 = arith.constant 0 : i32
    %dma_wait3A_31 = arith.constant 0 : i32
    %dma_wait3A_32 = tpu.memref_slice %arg6[%rem3A_26, %dma_wait3A, %dma_wait3A_30, %dma_wait3A_31] : memref<2x8x50x64xf32, #tpu.memory_space<vmem>> -> memref<1x8x50x64xf32, #tpu.memory_space<vmem>>
    %dma_wait3A_33 = tpu.memref_squeeze %dma_wait3A_32 : memref<1x8x50x64xf32, #tpu.memory_space<vmem>> -> memref<8x50x64xf32, #tpu.memory_space<vmem>>
    %dma_wait3A_34 = arith.constant 0 : i32
    %dma_wait3A_35 = arith.constant 0 : i32
    %dma_wait3A_36 = tpu.memref_slice %arg4[%multiple_of3A_29, %dma_wait3A_34, %dma_wait3A_35] : memref<16384x50x64xf32, #tpu.memory_space<hbm>> -> memref<8x50x64xf32, #tpu.memory_space<hbm>>
    %dma_wait3A_37 = tpu.memref_slice %arg9[%rem3A_26] : memref<2x!tpu.dma_semaphore, #tpu.memory_space<semaphore_mem>> -> memref<1x!tpu.dma_semaphore, #tpu.memory_space<semaphore_mem>>
    %dma_wait3A_38 = tpu.memref_squeeze %dma_wait3A_37 : memref<1x!tpu.dma_semaphore, #tpu.memory_space<semaphore_mem>> -> memref<!tpu.dma_semaphore, #tpu.memory_space<semaphore_mem>>
    %dma_wait3A_39 = arith.constant 0 : i32
    %dma_wait3A_40 = arith.constant 0 : i32
    %dma_wait3A_41 = tpu.memref_slice %arg4[%multiple_of3A_29, %dma_wait3A_39, %dma_wait3A_40] : memref<16384x50x64xf32, #tpu.memory_space<hbm>> -> memref<8x50x64xf32, #tpu.memory_space<hbm>>
    %dma_wait3A_42 = arith.constant 0 : i32
    %dma_wait3A_43 = arith.constant 0 : i32
    %dma_wait3A_44 = arith.constant 0 : i32
    %dma_wait3A_45 = tpu.memref_slice %arg6[%rem3A_26, %dma_wait3A_42, %dma_wait3A_43, %dma_wait3A_44] : memref<2x8x50x64xf32, #tpu.memory_space<vmem>> -> memref<1x8x50x64xf32, #tpu.memory_space<vmem>>
    %dma_wait3A_46 = tpu.memref_squeeze %dma_wait3A_45 : memref<1x8x50x64xf32, #tpu.memory_space<vmem>> -> memref<8x50x64xf32, #tpu.memory_space<vmem>>
    tpu.wait_dma2 semaphore(%dma_wait3A_38 : memref<!tpu.dma_semaphore, #tpu.memory_space<semaphore_mem>>) src(%dma_wait3A_46 : memref<8x50x64xf32, #tpu.memory_space<vmem>>) dst(%dma_wait3A_41 : memref<8x50x64xf32, #tpu.memory_space<hbm>>)
    %rem3A_47 = arith.constant 63 : i32
    %rem3A_48 = arith.constant 2 : i32
    %rem3A_49 = arith.remsi %rem3A_47, %rem3A_48 : i32
    %add3A_50 = arith.constant 504 : i32
    %add3A_51 = arith.addi %mul3A_2, %add3A_50 : i32
    %multiple_of3A_52 = tpu.assume_multiple %add3A_51, 8 : i32
    %dma_wait3A_53 = arith.constant 0 : i32
    %dma_wait3A_54 = arith.constant 0 : i32
    %dma_wait3A_55 = arith.constant 0 : i32
    %dma_wait3A_56 = tpu.memref_slice %arg6[%rem3A_49, %dma_wait3A_53, %dma_wait3A_54, %dma_wait3A_55] : memref<2x8x50x64xf32, #tpu.memory_space<vmem>> -> memref<1x8x50x64xf32, #tpu.memory_space<vmem>>
    %dma_wait3A_57 = tpu.memref_squeeze %dma_wait3A_56 : memref<1x8x50x64xf32, #tpu.memory_space<vmem>> -> memref<8x50x64xf32, #tpu.memory_space<vmem>>
    %dma_wait3A_58 = arith.constant 0 : i32
    %dma_wait3A_59 = arith.constant 0 : i32
    %dma_wait3A_60 = tpu.memref_slice %arg4[%multiple_of3A_52, %dma_wait3A_58, %dma_wait3A_59] : memref<16384x50x64xf32, #tpu.memory_space<hbm>> -> memref<8x50x64xf32, #tpu.memory_space<hbm>>
    %dma_wait3A_61 = tpu.memref_slice %arg9[%rem3A_49] : memref<2x!tpu.dma_semaphore, #tpu.memory_space<semaphore_mem>> -> memref<1x!tpu.dma_semaphore, #tpu.memory_space<semaphore_mem>>
    %dma_wait3A_62 = tpu.memref_squeeze %dma_wait3A_61 : memref<1x!tpu.dma_semaphore, #tpu.memory_space<semaphore_mem>> -> memref<!tpu.dma_semaphore, #tpu.memory_space<semaphore_mem>>
    %dma_wait3A_63 = arith.constant 0 : i32
    %dma_wait3A_64 = arith.constant 0 : i32
    %dma_wait3A_65 = tpu.memref_slice %arg4[%multiple_of3A_52, %dma_wait3A_63, %dma_wait3A_64] : memref<16384x50x64xf32, #tpu.memory_space<hbm>> -> memref<8x50x64xf32, #tpu.memory_space<hbm>>
    %dma_wait3A_66 = arith.constant 0 : i32
    %dma_wait3A_67 = arith.constant 0 : i32
    %dma_wait3A_68 = arith.constant 0 : i32
    %dma_wait3A_69 = tpu.memref_slice %arg6[%rem3A_49, %dma_wait3A_66, %dma_wait3A_67, %dma_wait3A_68] : memref<2x8x50x64xf32, #tpu.memory_space<vmem>> -> memref<1x8x50x64xf32, #tpu.memory_space<vmem>>
    %dma_wait3A_70 = tpu.memref_squeeze %dma_wait3A_69 : memref<1x8x50x64xf32, #tpu.memory_space<vmem>> -> memref<8x50x64xf32, #tpu.memory_space<vmem>>
    tpu.wait_dma2 semaphore(%dma_wait3A_62 : memref<!tpu.dma_semaphore, #tpu.memory_space<semaphore_mem>>) src(%dma_wait3A_70 : memref<8x50x64xf32, #tpu.memory_space<vmem>>) dst(%dma_wait3A_65 : memref<8x50x64xf32, #tpu.memory_space<hbm>>)
    return
  }
}

</mosaic_0001>

<sc_bundles>
// kernel: kernel.3.cloned.1.call-start
scs
__scs_entry_jumppad:
0x0: {  	(pc) =	sbr.rel $0x88, $3  }
0x1: {  	(tag) =	ssettag $0x0;
	lr =	simm.s32 $0x1  }
0x2: {  	[smem:$0x3F9F] =	sst lr;
	_ =	strace $0xD0000000  }
0x3: {  	_ = 	snop  }
0x4: {  	_ = 	snop  }
0x5: {  	_ = 	snop  }
0x6: {  	_ = 	snop  }
0x7: {  	_ = 	snop  }
__scs_overlays_trampoline_lowered:
0x8: {  	[smem:$0x3FAE] =	sst s0  }
0x9: {  	[smem:$0x3FAF] =	sst s1  }
0xa: {  	[smem:$0x3FB0] =	sst s2  }
0xb: {  	[smem:$0x3FB1] =	sst s3  }
0xc: {  	[smem:$0x3FB2] =	sst s4  }
0xd: {  	[smem:$0x3FB3] =	sst s5  }
0xe: {  	[smem:$0x3FB4] =	sst s6  }
0xf: {  	[smem:$0x3FB5] =	sst s7  }
0x10: {  	[smem:$0x3FB6] =	sst s8  }
0x11: {  	[smem:$0x3FB7] =	sst s9;
	s0 =	simm.s32 @!p0 $0x0  }
0x12: {  	s1 =	sld [smem:$0x3F9D];
	s0 =	simm.s32 @p0 $0x1  }
0x13: {  	[smem:$0x3FB8] =	sst s0;
	s0 =	simm.s32 @!p1 $0x0  }
0x14: {  	s2 =	sld [smem:$0x3F9C];
	s0 =	simm.s32 @p1 $0x1  }
0x15: {  	[smem:$0x3FB9] =	sst s0;
	s0 =	simm.s32 @!p2 $0x0  }
0x16: {  	s3 =	sld [smem:$0x3FDB];
	s0 =	simm.s32 @p2 $0x1  }
0x17: {  	s4 =	simm.s32 $0x1BF5;
	[smem:$0x3FBB] =	sst s0  }
0x18: {  	s0 =	sld [smem:$0x3F9E];
	_ =	swait.ge [sflag:s4], $0x0  }
0x19: {  	s7 =	sld [smem:$0x3F9F]  }
0x1a: {  	s8 =	sadd.s32 $0xFFFFE003, lr  }
0x1b: {  	s9 =	sadd.s32 $0xFFFFFEF7, lr;
	s5 =	simm.s32 $0xFFFFFFFF;
	p2 =	slt.u32 s8, $0xFFFFF086  }
0x1c: {  	p1 =	slt.u32 s9, $0xF7A;
	s5 =	simm.s32 @!p2 $0x0  }
0x1d: {  	s5 =	simm.s32 @p1 $0x1;
	p0 =	seq.s32 s7, s2  }
0x1e: {  	s7 =	smul.u32 @!p0 $0xF7A, s2;
	p2 =	seq.s32 @!p0 s5, $0x0  }
0x1f: {  	s9 =	smul.u32 $0xF7A, s1;
	s8 =	simm.s32 @!p0 $0x1BF5;
	p2 =	por !p2, p0  }
0x20: {  	[sflag:s8] =	ssyncset.s32 @!p0 $0xFFFFF086;
	s6 =	sadd.s32 @!p0 s3, s7;
	s7 =	simm.s32 @!p0 $0x108  }
0x21: {  	s3 =	sadd.s32 s3, s9;
	s6 =	sadd.s32 @!p0 $0x88, s6;
	s7 =	simm.s32 @p2 $0x1082  }
0x22: {  	[simem:s7], [sflag:s8] =	dma.local @!p0 [hbm:s6], $0xF7A  }
0x23: {  	s9 =	sor.u32 $0xD0000000, s2;
	s6 =	simm.s32 $0x108;
	_ =	swait.ge @!p0 [sflag:s8], $0x0  }
0x24: {  	s3 =	sadd.s32 $0x88, s3;
	s6 =	simm.s32 @!p1 $0x1082;
	[sflag:s4] =	ssyncset.s32 $0xFFFFF086  }
0x25: {  	[simem:s6], [sflag:s4] =	dma.local [hbm:s3], $0xF7A  }
0x26: {  	[smem:$0x3F9F] =	sst s1;
	(tag) =	ssettag s2;
	_ =	strace s9  }
0x27: {  	s1 =	sld [smem:$0x3FAF]  }
0x28: {  	s2 =	sld [smem:$0x3FB0]  }
0x29: {  	s4 =	sld [smem:$0x3FB2]  }
0x2a: {  	p0 =	seq.s32 s5, $0x0;
	s5 =	sld [smem:$0x3FB3]  }
0x2b: {  	s6 =	sld [smem:$0x3FB4]  }
0x2c: {  	s7 =	sld [smem:$0x3FB5]  }
0x2d: {  	s3 =	simm.s32 $0x108;
	s8 =	sld [smem:$0x3FB6]  }
0x2e: {  	s3 =	simm.s32 @!p0 $0x1082;
	s9 =	sld [smem:$0x3FB7]  }
0x2f: {  	lr =	sadd.s32 s0, s3;
	s0 =	sld [smem:$0x3FAE]  }
0x30: {  	s3 =	sld [smem:$0x3FB1]  }
0x31: {  	[smem:$0x3FBA] =	sst s10  }
0x32: {  	s10 =	sld [smem:$0x3FB8];
	_ =	sdelay $0x3  }
0x33: {  	p0 =	seq.s32 s10, $0x1;
	s10 =	sld [smem:$0x3FBA];
	_ =	sdelay $0x3  }
0x34: {  	[smem:$0x3FBA] =	sst s10  }
0x35: {  	s10 =	sld [smem:$0x3FB9];
	_ =	sdelay $0x3  }
0x36: {  	p1 =	seq.s32 s10, $0x1;
	s10 =	sld [smem:$0x3FBA];
	_ =	sdelay $0x3  }
0x37: {  	[smem:$0x3FBA] =	sst s10  }
0x38: {  	s10 =	sld [smem:$0x3FBB]  }
0x39: {  	_ = 	snop;
	(pc) =	sbr.ind lr, $3  }
0x3a: {  	_ = 	snop  }
0x3b: {  	_ = 	snop  }
0x3c: {  	p2 =	seq.s32 s10, $0x1;
	s10 =	sld [smem:$0x3FBA]  }
0x3d: {  	_ =	shalt  }
0x3e: {  	_ =	shalt  }
0x3f: {  	_ =	shalt  }
0x40: {  	_ =	shalt  }
0x41: {  	_ =	shalt  }
0x42: {  	_ =	shalt  }
0x43: {  	_ =	shalt  }
0x44: {  	_ =	shalt  }
0x45: {  	_ =	shalt  }
0x46: {  	_ =	shalt  }
0x47: {  	_ =	shalt  }
0x48: {  	_ =	shalt  }
0x49: {  	_ =	shalt  }
0x4a: {  	_ =	shalt  }
0x4b: {  	_ =	shalt  }
0x4c: {  	_ =	shalt  }
0x4d: {  	_ =	shalt  }
0x4e: {  	_ =	shalt  }
0x4f: {  	_ =	shalt  }
0x50: {  	_ =	shalt  }
0x51: {  	_ =	shalt  }
0x52: {  	_ =	shalt  }
0x53: {  	_ =	shalt  }
0x54: {  	_ =	shalt  }
0x55: {  	_ =	shalt  }
0x56: {  	_ =	shalt  }
0x57: {  	_ =	shalt  }
0x58: {  	_ =	shalt  }
0x59: {  	_ =	shalt  }
0x5a: {  	_ =	shalt  }
0x5b: {  	_ =	shalt  }
0x5c: {  	_ =	shalt  }
0x5d: {  	_ =	shalt  }
0x5e: {  	_ =	shalt  }
0x5f: {  	_ =	shalt  }
0x60: {  	_ =	shalt  }
0x61: {  	_ =	shalt  }
0x62: {  	_ =	shalt  }
0x63: {  	_ =	shalt  }
0x64: {  	_ =	shalt  }
0x65: {  	_ =	shalt  }
0x66: {  	_ =	shalt  }
0x67: {  	_ =	shalt  }
0x68: {  	_ =	shalt  }
0x69: {  	_ =	shalt  }
0x6a: {  	_ =	shalt  }
0x6b: {  	_ =	shalt  }
0x6c: {  	_ =	shalt  }
0x6d: {  	_ =	shalt  }
0x6e: {  	_ =	shalt  }
0x6f: {  	_ =	shalt  }
0x70: {  	_ =	shalt  }
0x71: {  	_ =	shalt  }
0x72: {  	_ =	shalt  }
0x73: {  	_ =	shalt  }
0x74: {  	_ =	shalt  }
0x75: {  	_ =	shalt  }
0x76: {  	_ =	shalt  }
0x77: {  	_ =	shalt  }
0x78: {  	_ =	shalt  }
0x79: {  	_ =	shalt  }
0x7a: {  	_ =	shalt  }
0x7b: {  	_ =	shalt  }
0x7c: {  	_ =	shalt  }
0x7d: {  	_ =	shalt  }
0x7e: {  	_ =	shalt  }
0x7f: {  	_ =	shalt  }
0x80: {  	_ =	shalt  }
0x81: {  	_ =	shalt  }
0x82: {  	_ =	shalt  }
0x83: {  	_ =	shalt  }
0x84: {  	_ =	shalt  }
0x85: {  	_ =	shalt  }
0x86: {  	_ =	shalt  }
0x87: {  	_ =	shalt  }
.Lfunc_end0:
.L_simem_size_0:
called_computation.1_lowered:
.L_overlay_start_0:
0x88: {  	s2 =	sld [smem:$0x3FD9]  }
0x89: {  	s3 =	sld [smem:$0x3FFE];
	_ =	sdelay $0x1  }
0x8a: {  	s1 =	srdreg.scid  }
0x8b: {  	s0 =	sand.u32 $0x1, s1  }
0x8c: {  	s17 =	sshll.u32 s0, $0xA;
	s2 =	sadd.s32 s3, s2  }
0x8d: {  	s2 =	sadd.s32 s2, s17  }
0x8e: {  	[smem:$0x3FC6] =	sst s2  }
0x8f: {  	_ = 	snop  }
0x90: {  	s2 =	sld [smem:$0x3FD0];
	(tm) =	ssettm $0x1  }
0x91: {  	s18 =	sld [smem:$0x3FFB];
	_ =	sdelay $0x3  }
0x92: {  	_ =	strace s18  }
0x93: {  	s3 =	sld [smem:$0x3FFC];
	_ =	sdelay $0x3  }
0x94: {  	_ =	strace s3  }
0x95: {  	s3 =	sld [smem:$0x3FFD];
	_ =	sdelay $0x3  }
0x96: {  	_ =	strace s3  }
0x97: {  	_ =	strace $0x8FFFFFFF  }
0x98: {  	s19 =	sld [smem:$0x3FDB];
	_ =	sdelay $0x1  }
0x99: {  	s4 =	simm.s32 $_scs_section_size  }
0x9a: {  	s5 =	simm.s32 $_size__tile_overlayer_lowered;
	s6 =	simm.s32 $_tile_overlayer_lowered  }
0x9b: {  	s22 =	simm.s32 $0x1BFF;
	s21 =	sshll.u32 s6, $0x1;
	s3 =	sadd.s32 s4, s19  }
0x9c: {  	s7 =	simm.s32 $0x0;
	s20 =	sshll.u32 s5, $0x1;
	s5 =	sadd.s32 s21, s3  }
0x9d: {  	[timem:s7], [sflag:s22] =	dma.local [hbm:s5], s20  }
0x9e: {  	_ =	swait.ge [sflag:s22], s20  }
0x9f: {  	s4 =	ssub.s32 $0x0, s20;
	[sflag:s22] =	ssyncset.done $0x0  }
0xa0: {  	[sflag:s22] =	ssyncadd.s32 s4;
	_ =	sdelay $0x1  }
0xa1: {  	s23 =	simm.s32 $0x1B8B  }
0xa2: {  	_ =	swait.ge [sflag:s23], $0x1  }
0xa3: {  	[sflag:s23] =	ssyncset.done $0x0  }
0xa4: {  	s25 =	simm.s32 $0x1B8E;
	s24 =	sld [smem:$0x3FFE];
	[sflag:s23] =	ssyncadd.s32 $0xFFFFFFFF  }
0xa5: {  	s26 =	simm.s32 $execute0_lowered;
	[smem:$0x3FD2] =	sst s25  }
0xa6: {  	s5 =	sshll.u32 s26, $0x1;
	_ =	strace $0x80000046;
	[dreg:$0x1] =	wrdreg $0xFFFFFFFF  }
0xa7: {  	s28 =	simm.s32 $_size_execute0_lowered;
	s3 =	sadd.s32 s3, s5;
	[dreg:$0x0] =	wrdreg $0x0  }
0xa8: {  	s5 =	sshll.u32 s28, $0x1;
	[dreg:$0x2] =	wrdreg s3  }
0xa9: {  	[dreg:$0x3] =	wrdreg s5  }
0xaa: {  	[dreg:$0x4] =	wrdreg $0xC0  }
0xab: {  	_ =	task [dreg:s7], $0x5FFFF  }
0xac: {  	[dreg:$0x1] =	wrdreg $0xFFFFFFFF  }
0xad: {  	[dreg:$0x0] =	wrdreg $0x60  }
0xae: {  	[dreg:$0x2] =	wrdreg s24  }
0xaf: {  	[dreg:$0x3] =	wrdreg s2  }
0xb0: {  	[dreg:$0x4] =	wrdreg $0x9  }
0xb1: {  	_ =	task.clear_ibuf [dreg:s7], $0x5FFFF;
	_ =	strace $0x90000046  }
0xb2: {  	s29 =	simm.s32 $0x9;
	_ =	strace $0x80000048  }
0xb3: {  	_ =	swait.ge [sflag:s29], $0x1  }
0xb4: {  	[sflag:s29] =	ssyncadd.s32 $0xFFFFFFFF  }
0xb5: {  	_ =	strace $0x90000048  }
0xb6: {  	_ =	sfence  }
0xb7: {  	s30 =	sld [smem:$0x0];
	_ =	sdelay $0x2  }
0xb8: {  	s31 =	sshll.u32 s1, $0xD;
	s1 =	sshrl.u32 s1, $0x2  }
0xb9: {  	s3 =	sand.u32 $0x4000, s31;
	s1 =	sadd.s32 s1, s30  }
0xba: {  	s0 =	sor.u32 s3, s0;
	s1 =	sshll.u32 s1, $0x11  }
0xbb: {  	s0 =	sor.u32 s1, s0  }
0xbc: {  	s0 =	sadd.s32 $0x8F2B, s0  }
0xbd: {  	[sflag:s0] =	ssyncadd.remote.s32 $0x1  }
0xbe: {  	_ =	sfence.sel $0xFFFF  }
0xbf: {  	[dreg:$0x0] =	wrdreg $0xFFFFFFFF;
	(pc) =	sbr.abs _section_cstart, $3  }
0xc0: {  	[dreg:$0x1] =	wrdreg $0xFFFFFFFF  }
0xc1: {  	_ =	task.clear_ibuf [dreg:s7], $0x2FFFF;
	_ =	strace $0x9FFFFFFF  }
0xc2: {  	(tm) =	ssettm $0x7FFFFFFF  }
0xc3: {  	_ =	shalt  }
tec
execute0_lowered:
.L_overlay_start_1:
0x0: {  	(tag) =	ssettag $0x1  }
0x1: {  	s0 =	srdreg.scid  }
0x2: {  	s1 =	rddreg [dreg:$0x0];
	s11 =	stileid.u32  }
0x3: {  	s7 =	rddreg [dreg:$0x1];
	s2 =	simm.s32 $0x0;
	s13 =	simm.s32 $0x6780  }
0x4: {  	s28 =	simm.s32 $0xBF00;
	s29 =	simm.s32 $0x4;
	s30 =	simm.s32 $0x5  }
0x5: {  	s31 =	simm.s32 $0x0;
	s0 =	sand.u32 $0x1, s0;
	s10 =	smul.u32 $0x1C00, s11  }
0x6: {  	s3 =	sshll.u32 s11, $0xA;
	[smem:$0x7FF] =	sst s2;
	s26 =	smul.u32 $0x64000, s11  }
0x7: {  	s8 =	sadd.s32 $0xA00, s1;
	s4 =	sshll.u32 s0, $0x9;
	s25 =	smul.u32 $0xE00, s0  }
0x8: {  	s5 =	ssub.s32 $0x2, s0;
	s0 =	smul.u32 $0x32000, s0;
	s3 =	sor.u32 s4, s3  }
0x9: {  	s11 =	simm.s32 $0x2;
	_ =	strace $0x80000047;
	s4 =	smul.u32 $0x7, s3  }
0xa: {  	s9 =	sshrl.u32 s5, $0x1;
	s6 =	smul.u32 $0x190, s3;
	s3 =	sadd.s32 $0xF42E00, s1  }
0xb: {  	s24 =	ssub.s32 s5, s9;
	s1 =	sadd.s32 s26, s7;
	s9 =	simm.s32 $0x32  }
0xc: {  	s26 =	simm.s32 $0x348;
	s5 =	smax.u32 s24, $0x1;
	s17 =	sadd.s32 s0, s1  }
0xd: {  	s24 =	simm.s32 $0x310;
	s4 =	sadd.s32 s8, s4;
	s8 =	sadd.s32 s10, s8  }
0xe: {  	s6 =	sadd.s32 s7, s6;
	s10 =	simm.s32 $0x6;
	s8 =	sadd.s32 s25, s8  }
0xf: {  	s6 =	sadd.s32 $0x31380, s6;
	s25 =	simm.s32 $0xB280;
	s7 =	sadd.s32 $0x38, s8  }
.LBB2_1:
0x10: {  	[tilespmem:s2], [sflag:$0x1] =	stream.linear.gather [hbm4b:s4+s2], $0x1C0, $0x38;
	[tilespmem:$0xCB80] =	vst v63  }
0x11: {  	s0 =	sand.u32 $0x1, s2;
	p0 =	por $0x1, $0x1  }
0x12: {  	s1 =	sadd.s32 @!p0 $0x5, s0  }
0x13: {  	_ =	swait.ge @!p0 [sflag:s1], $0x6400  }
0x14: {  	[sflag:s1] =	ssyncset.done @!p0 $0x0  }
0x15: {  	s20 =	sadd.s32 $0x1, s0;
	s8 =	smul.u32 $0x19000, s0;
	[sflag:s1] =	ssyncadd.s32 @!p0 $0xFFFF9C00  }
0x16: {  	s12 =	smul.u32 $0x700, s0;
	_ =	swait.ge [sflag:s20], $0x1C0  }
0x17: {  	s14 =	sadd.s32 $0x3, s0;
	s8 =	sshrl.u32 s8, $0x2;
	[sflag:s20] =	ssyncset.done $0x0  }
0x18: {  	s15 =	sor.u32 $0x380, s8;
	s1 =	sshrl.u32 s12, $0x2;
	[sflag:s20] =	ssyncadd.s32 $0xFFFFFE40  }
0x19: {  	[tilespmem:s15], [sflag:s14] =	stream.indirect.gather [hbm4b:s3+s9], $0x40, s1, s9, $0xb8;
	[tilespmem:$0xCB80] =	vst v63  }
0x1a: {  	s21 =	sadd.s32 $0x1000, s8;
	s16 =	sor.u32 $0x38, s1  }
0x1b: {  	[tilespmem:s21], [sflag:s14] =	stream.indirect.gather [hbm4b:s3+s9], $0x40, s16, s9, $0xb8;
	[tilespmem:$0xCB80] =	vst v63  }
0x1c: {  	s22 =	sadd.s32 $0x1C80, s8;
	s23 =	sadd.s32 $0x70, s1  }
0x1d: {  	[tilespmem:s22], [sflag:s14] =	stream.indirect.gather [hbm4b:s3+s9], $0x40, s23, s9, $0xb8;
	[tilespmem:$0xCB80] =	vst v63  }
0x1e: {  	s18 =	sadd.s32 $0x2900, s8;
	s19 =	sadd.s32 $0xA8, s1  }
0x1f: {  	[tilespmem:s18], [sflag:s14] =	stream.indirect.gather [hbm4b:s3+s9], $0x40, s19, s9, $0xb8;
	[tilespmem:$0xCB80] =	vst v63  }
0x20: {  	s20 =	sadd.s32 $0x3580, s8;
	s21 =	sadd.s32 $0xE0, s1  }
0x21: {  	[tilespmem:s20], [sflag:s14] =	stream.indirect.gather [hbm4b:s3+s9], $0x40, s21, s9, $0xb8;
	[tilespmem:$0xCB80] =	vst v63  }
0x22: {  	s22 =	sadd.s32 $0x4200, s8;
	s23 =	sadd.s32 $0x118, s1  }
0x23: {  	[tilespmem:s22], [sflag:s14] =	stream.indirect.gather [hbm4b:s3+s9], $0x40, s23, s9, $0xb8;
	[tilespmem:$0xCB80] =	vst v63  }
0x24: {  	s16 =	sadd.s32 $0x4E80, s8;
	s19 =	sadd.s32 $0x150, s1;
	s18 =	sxor.u32 $0x1, s0  }
0x25: {  	[tilespmem:s16], [sflag:s14] =	stream.indirect.gather [hbm4b:s3+s9], $0x40, s19, s9, $0xb8;
	[tilespmem:$0xCB80] =	vst v63  }
0x26: {  	s8 =	sadd.s32 $0x5B00, s8;
	s1 =	sadd.s32 $0x188, s1;
	s20 =	smul.u32 $0x700, s18  }
0x27: {  	[tilespmem:s8], [sflag:s14] =	stream.indirect.gather [hbm4b:s3+s9], $0x40, s1, s9, $0xb8;
	[tilespmem:$0xCB80] =	vst v63  }
0x28: {  	s21 =	sshrl.u32 s20, $0x2;
	s22 =	sadd.s32 $0x1, s18  }
0x29: {  	[tilespmem:s21], [sflag:s22] =	stream.linear.gather [hbm4b:s7+s2], $0x1C0, $0x38;
	[tilespmem:$0xCB80] =	vst v63  }
0x2a: {  	_ =	swait.ge [sflag:s14], $0xC80  }
0x2b: {  	[sflag:s14] =	ssyncset.done $0x0  }
0x2c: {  	[sflag:s14] =	ssyncadd.s32 $0xFFFFF380  }
0x2d: {  	_ =	swait.ge [sflag:s14], $0xC80  }
0x2e: {  	[sflag:s14] =	ssyncset.done $0x0  }
0x2f: {  	[sflag:s14] =	ssyncadd.s32 $0xFFFFF380  }
0x30: {  	_ =	swait.ge [sflag:s14], $0xC80  }
0x31: {  	[sflag:s14] =	ssyncset.done $0x0  }
0x32: {  	[sflag:s14] =	ssyncadd.s32 $0xFFFFF380  }
0x33: {  	_ =	swait.ge [sflag:s14], $0xC80  }
0x34: {  	[sflag:s14] =	ssyncset.done $0x0  }
0x35: {  	[sflag:s14] =	ssyncadd.s32 $0xFFFFF380  }
0x36: {  	_ =	swait.ge [sflag:s14], $0xC80  }
0x37: {  	[sflag:s14] =	ssyncset.done $0x0  }
0x38: {  	[sflag:s14] =	ssyncadd.s32 $0xFFFFF380  }
0x39: {  	_ =	swait.ge [sflag:s14], $0xC80  }
0x3a: {  	[sflag:s14] =	ssyncset.done $0x0  }
0x3b: {  	[sflag:s14] =	ssyncadd.s32 $0xFFFFF380  }
0x3c: {  	_ =	swait.ge [sflag:s14], $0xC80  }
0x3d: {  	p1 =	por $0x1, $0x1;
	s12 =	sadd.s32 $0x38, s7;
	[sflag:s14] =	ssyncset.done $0x0  }
0x3e: {  	s23 =	simm.s32 $0x1;
	s16 =	simm.s32 $0x2;
	[sflag:s14] =	ssyncadd.s32 $0xFFFFF380  }
0x3f: {  	s19 =	sadd.s32 $0x5, s0;
	s0 =	sand.u32 $0x1, s23;
	_ =	swait.ge [sflag:s14], $0xC80  }
0x40: {  	s1 =	sadd.s32 $0xC80, s17;
	s8 =	smov.u32 s17;
	[sflag:s14] =	ssyncset.done $0x0  }
.LBB2_2:
0x41: {  	s20 =	sadd.s32 @!p1 $0x5, s0  }
0x42: {  	[sflag:s14] =	ssyncadd.s32 $0xFFFFF380;
	s18 =	smov.u32 s16;
	s16 =	sadd.s32 $0x1, s16  }
0x43: {  	[hbm4b:s8+s2] =	stream.linear.scatter [tilespmem:s15], [sflag:s19], $0x6400, $0x38;
	[tilespmem:$0xCB80] =	vst v63  }
0x44: {  	p0 =	sne.s32 s16, $0x3F;
	s8 =	smov.u32 s1;
	_ =	swait.ge @!p1 [sflag:s20], $0x6400  }
0x45: {  	[sflag:s20] =	ssyncset.done @!p1 $0x0  }
0x46: {  	s14 =	smul.u32 $0x19000, s0;
	s15 =	sadd.s32 $0x1, s0;
	[sflag:s20] =	ssyncadd.s32 @!p1 $0xFFFF9C00  }
0x47: {  	s19 =	smul.u32 $0x700, s0;
	_ =	swait.ge [sflag:s15], $0x1C0  }
0x48: {  	s20 =	sshrl.u32 s14, $0x2;
	s14 =	sadd.s32 $0x3, s0;
	[sflag:s15] =	ssyncset.done $0x0  }
0x49: {  	s19 =	sshrl.u32 s19, $0x2;
	[sflag:s15] =	ssyncadd.s32 $0xFFFFFE40;
	s15 =	sor.u32 $0x380, s20  }
0x4a: {  	[tilespmem:s15], [sflag:s14] =	stream.indirect.gather [hbm4b:s3+s9], $0x40, s19, s9, $0xb8;
	[tilespmem:$0xCB80] =	vst v63  }
0x4b: {  	s22 =	sor.u32 $0x38, s19;
	s21 =	sadd.s32 $0x1000, s20  }
0x4c: {  	[tilespmem:s21], [sflag:s14] =	stream.indirect.gather [hbm4b:s3+s9], $0x40, s22, s9, $0xb8;
	[tilespmem:$0xCB80] =	vst v63  }
0x4d: {  	s21 =	sadd.s32 $0x1C80, s20;
	s22 =	sadd.s32 $0x70, s19  }
0x4e: {  	[tilespmem:s21], [sflag:s14] =	stream.indirect.gather [hbm4b:s3+s9], $0x40, s22, s9, $0xb8;
	[tilespmem:$0xCB80] =	vst v63  }
0x4f: {  	s21 =	sadd.s32 $0x2900, s20;
	s22 =	sadd.s32 $0xA8, s19  }
0x50: {  	[tilespmem:s21], [sflag:s14] =	stream.indirect.gather [hbm4b:s3+s9], $0x40, s22, s9, $0xb8;
	[tilespmem:$0xCB80] =	vst v63  }
0x51: {  	s21 =	sadd.s32 $0x3580, s20;
	s22 =	sadd.s32 $0xE0, s19  }
0x52: {  	[tilespmem:s21], [sflag:s14] =	stream.indirect.gather [hbm4b:s3+s9], $0x40, s22, s9, $0xb8;
	[tilespmem:$0xCB80] =	vst v63  }
0x53: {  	s21 =	sadd.s32 $0x4200, s20;
	s22 =	sadd.s32 $0x118, s19  }
0x54: {  	[tilespmem:s21], [sflag:s14] =	stream.indirect.gather [hbm4b:s3+s9], $0x40, s22, s9, $0xb8;
	[tilespmem:$0xCB80] =	vst v63  }
0x55: {  	s23 =	sxor.u32 $0x1, s0;
	s21 =	sadd.s32 $0x4E80, s20;
	s22 =	sadd.s32 $0x150, s19  }
0x56: {  	[tilespmem:s21], [sflag:s14] =	stream.indirect.gather [hbm4b:s3+s9], $0x40, s22, s9, $0xb8;
	[tilespmem:$0xCB80] =	vst v63  }
0x57: {  	s20 =	sadd.s32 $0x5B00, s20;
	s19 =	sadd.s32 $0x188, s19;
	s21 =	smul.u32 $0x700, s23  }
0x58: {  	[tilespmem:s20], [sflag:s14] =	stream.indirect.gather [hbm4b:s3+s9], $0x40, s19, s9, $0xb8;
	[tilespmem:$0xCB80] =	vst v63  }
0x59: {  	s19 =	sshrl.u32 s21, $0x2;
	s20 =	sadd.s32 $0x1, s23  }
0x5a: {  	[tilespmem:s19], [sflag:s20] =	stream.linear.gather [hbm4b:s12+s2], $0x1C0, $0x38;
	[tilespmem:$0xCB80] =	vst v63  }
0x5b: {  	_ =	swait.ge [sflag:s14], $0xC80  }
0x5c: {  	[sflag:s14] =	ssyncset.done $0x0  }
0x5d: {  	[sflag:s14] =	ssyncadd.s32 $0xFFFFF380  }
0x5e: {  	_ =	swait.ge [sflag:s14], $0xC80  }
0x5f: {  	[sflag:s14] =	ssyncset.done $0x0  }
0x60: {  	[sflag:s14] =	ssyncadd.s32 $0xFFFFF380  }
0x61: {  	_ =	swait.ge [sflag:s14], $0xC80  }
0x62: {  	[sflag:s14] =	ssyncset.done $0x0  }
0x63: {  	[sflag:s14] =	ssyncadd.s32 $0xFFFFF380  }
0x64: {  	_ =	swait.ge [sflag:s14], $0xC80  }
0x65: {  	[sflag:s14] =	ssyncset.done $0x0  }
0x66: {  	[sflag:s14] =	ssyncadd.s32 $0xFFFFF380  }
0x67: {  	_ =	swait.ge [sflag:s14], $0xC80  }
0x68: {  	[sflag:s14] =	ssyncset.done $0x0  }
0x69: {  	[sflag:s14] =	ssyncadd.s32 $0xFFFFF380  }
0x6a: {  	_ =	swait.ge [sflag:s14], $0xC80  }
0x6b: {  	[sflag:s14] =	ssyncset.done $0x0  }
0x6c: {  	[sflag:s14] =	ssyncadd.s32 $0xFFFFF380  }
.Ltmp0:
0x6d: {  	_ =	swait.ge [sflag:s14], $0xC80;
	(pc) =	sbr.rel @p0 .LBB2_2-.Ltmp0, $4  }
0x6e: {  	[sflag:s14] =	ssyncset.done $0x0  }
0x6f: {  	s1 =	sadd.s32 $0xC80, s1;
	[sflag:s14] =	ssyncadd.s32 $0xFFFFF380  }
0x70: {  	s19 =	sadd.s32 $0x5, s0;
	s12 =	sadd.s32 $0x38, s12;
	_ =	swait.ge [sflag:s14], $0xC80  }
0x71: {  	p1 =	slt.u32 s18, $0x2;
	s0 =	sand.u32 $0x1, s18;
	[sflag:s14] =	ssyncset.done $0x0  }
0x72: {  	s16 =	sadd.s32 @!p1 $0x5, s0;
	[sflag:s14] =	ssyncadd.s32 $0xFFFFF380  }
0x73: {  	[hbm4b:s8+s2] =	stream.linear.scatter [tilespmem:s15], [sflag:s19], $0x6400, $0x38;
	[tilespmem:$0xCB80] =	vst v63  }
0x74: {  	_ =	swait.ge @!p1 [sflag:s16], $0x6400  }
0x75: {  	s20 =	smul.u32 $0x700, s0;
	[sflag:s16] =	ssyncset.done @!p1 $0x0  }
0x76: {  	s18 =	sadd.s32 $0x1, s0;
	s19 =	smul.u32 $0x19000, s0;
	[sflag:s16] =	ssyncadd.s32 @!p1 $0xFFFF9C00  }
0x77: {  	_ =	swait.ge [sflag:s18], $0x1C0  }
0x78: {  	s15 =	sshrl.u32 s20, $0x2;
	s14 =	sshrl.u32 s19, $0x2;
	[sflag:s18] =	ssyncset.done $0x0  }
0x79: {  	s16 =	sadd.s32 $0x3, s0;
	s8 =	sor.u32 $0x380, s14;
	[sflag:s18] =	ssyncadd.s32 $0xFFFFFE40  }
0x7a: {  	[tilespmem:s8], [sflag:s16] =	stream.indirect.gather [hbm4b:s3+s9], $0x40, s15, s9, $0xb8;
	[tilespmem:$0xCB80] =	vst v63  }
0x7b: {  	s21 =	sor.u32 $0x38, s15;
	s18 =	sadd.s32 $0x1000, s14  }
0x7c: {  	[tilespmem:s18], [sflag:s16] =	stream.indirect.gather [hbm4b:s3+s9], $0x40, s21, s9, $0xb8;
	[tilespmem:$0xCB80] =	vst v63  }
0x7d: {  	s23 =	sadd.s32 $0x70, s15;
	s22 =	sadd.s32 $0x1C80, s14  }
0x7e: {  	[tilespmem:s22], [sflag:s16] =	stream.indirect.gather [hbm4b:s3+s9], $0x40, s23, s9, $0xb8;
	[tilespmem:$0xCB80] =	vst v63  }
0x7f: {  	s20 =	sadd.s32 $0x2900, s14;
	s21 =	sadd.s32 $0xA8, s15  }
0x80: {  	[tilespmem:s20], [sflag:s16] =	stream.indirect.gather [hbm4b:s3+s9], $0x40, s21, s9, $0xb8;
	[tilespmem:$0xCB80] =	vst v63  }
0x81: {  	s22 =	sadd.s32 $0x3580, s14;
	s23 =	sadd.s32 $0xE0, s15  }
0x82: {  	[tilespmem:s22], [sflag:s16] =	stream.indirect.gather [hbm4b:s3+s9], $0x40, s23, s9, $0xb8;
	[tilespmem:$0xCB80] =	vst v63  }
0x83: {  	s19 =	sadd.s32 $0x4200, s14;
	s20 =	sadd.s32 $0x118, s15  }
0x84: {  	[tilespmem:s19], [sflag:s16] =	stream.indirect.gather [hbm4b:s3+s9], $0x40, s20, s9, $0xb8;
	[tilespmem:$0xCB80] =	vst v63  }
0x85: {  	s21 =	sadd.s32 $0x4E80, s14;
	s22 =	sadd.s32 $0x150, s15;
	s23 =	sxor.u32 $0x1, s0  }
0x86: {  	[tilespmem:s21], [sflag:s16] =	stream.indirect.gather [hbm4b:s3+s9], $0x40, s22, s9, $0xb8;
	[tilespmem:$0xCB80] =	vst v63  }
0x87: {  	s14 =	sadd.s32 $0x5B00, s14;
	s15 =	sadd.s32 $0x188, s15;
	s20 =	smul.u32 $0x700, s23  }
0x88: {  	[tilespmem:s14], [sflag:s16] =	stream.indirect.gather [hbm4b:s3+s9], $0x40, s15, s9, $0xb8;
	[tilespmem:$0xCB80] =	vst v63  }
0x89: {  	s21 =	sshrl.u32 s20, $0x2;
	s22 =	sadd.s32 $0x1, s23  }
0x8a: {  	[tilespmem:s21], [sflag:s22] =	stream.linear.gather [hbm4b:s12+s2], $0x1C0, $0x38;
	[tilespmem:$0xCB80] =	vst v63  }
0x8b: {  	_ =	swait.ge [sflag:s16], $0xC80  }
0x8c: {  	[sflag:s16] =	ssyncset.done $0x0  }
0x8d: {  	[sflag:s16] =	ssyncadd.s32 $0xFFFFF380  }
0x8e: {  	_ =	swait.ge [sflag:s16], $0xC80  }
0x8f: {  	[sflag:s16] =	ssyncset.done $0x0  }
0x90: {  	[sflag:s16] =	ssyncadd.s32 $0xFFFFF380  }
0x91: {  	_ =	swait.ge [sflag:s16], $0xC80  }
0x92: {  	[sflag:s16] =	ssyncset.done $0x0  }
0x93: {  	[sflag:s16] =	ssyncadd.s32 $0xFFFFF380  }
0x94: {  	_ =	swait.ge [sflag:s16], $0xC80  }
0x95: {  	[sflag:s16] =	ssyncset.done $0x0  }
0x96: {  	[sflag:s16] =	ssyncadd.s32 $0xFFFFF380  }
0x97: {  	_ =	swait.ge [sflag:s16], $0xC80  }
0x98: {  	[sflag:s16] =	ssyncset.done $0x0  }
0x99: {  	[sflag:s16] =	ssyncadd.s32 $0xFFFFF380  }
0x9a: {  	_ =	swait.ge [sflag:s16], $0xC80  }
0x9b: {  	[sflag:s16] =	ssyncset.done $0x0  }
0x9c: {  	[sflag:s16] =	ssyncadd.s32 $0xFFFFF380  }
0x9d: {  	_ =	swait.ge [sflag:s16], $0xC80  }
0x9e: {  	[sflag:s16] =	ssyncset.done $0x0  }
0x9f: {  	[sflag:s16] =	ssyncadd.s32 $0xFFFFF380  }
0xa0: {  	_ =	swait.ge [sflag:s16], $0xC80  }
0xa1: {  	[sflag:s16] =	ssyncset.done $0x0  }
0xa2: {  	s23 =	sadd.s32 $0x5, s0;
	[sflag:s16] =	ssyncadd.s32 $0xFFFFF380  }
0xa3: {  	[hbm4b:s1+s2] =	stream.linear.scatter [tilespmem:s8], [sflag:s23], $0x6400, $0x38;
	[tilespmem:$0xCB80] =	vst v63  }
0xa4: {  	_ =	swait.ge [sflag:s10], $0x6400  }
0xa5: {  	[sflag:s10] =	ssyncset.done $0x0  }
0xa6: {  	[sflag:s10] =	ssyncadd.s32 $0xFFFF9C00  }
0xa7: {  	_ =	swait.ge [sflag:s11], $0x1C0  }
0xa8: {  	[sflag:s11] =	ssyncset.done $0x0  }
0xa9: {  	s8 =	simm.s32 $0x1C0;
	[sflag:s11] =	ssyncadd.s32 $0xFFFFFE40  }
0xaa: {  	[tilespmem:s13], [sflag:$0x4] =	stream.indirect.gather [hbm4b:s3+s9], $0x40, s8, s9, $0xb8;
	[tilespmem:$0xCB80] =	vst v63  }
0xab: {  	s14 =	simm.s32 $0x7400;
	s12 =	simm.s32 $0x1F8  }
0xac: {  	[tilespmem:s14], [sflag:$0x4] =	stream.indirect.gather [hbm4b:s3+s9], $0x40, s12, s9, $0xb8;
	[tilespmem:$0xCB80] =	vst v63  }
0xad: {  	s15 =	simm.s32 $0x230;
	s16 =	simm.s32 $0x8080  }
0xae: {  	[tilespmem:s16], [sflag:$0x4] =	stream.indirect.gather [hbm4b:s3+s9], $0x40, s15, s9, $0xb8;
	[tilespmem:$0xCB80] =	vst v63  }
0xaf: {  	s18 =	simm.s32 $0x268;
	s19 =	simm.s32 $0x8D00  }
0xb0: {  	[tilespmem:s19], [sflag:$0x4] =	stream.indirect.gather [hbm4b:s3+s9], $0x40, s18, s9, $0xb8;
	[tilespmem:$0xCB80] =	vst v63  }
0xb1: {  	s20 =	simm.s32 $0x2A0;
	s21 =	simm.s32 $0x9980  }
0xb2: {  	[tilespmem:s21], [sflag:$0x4] =	stream.indirect.gather [hbm4b:s3+s9], $0x40, s20, s9, $0xb8;
	[tilespmem:$0xCB80] =	vst v63  }
0xb3: {  	s22 =	simm.s32 $0x2D8;
	s23 =	simm.s32 $0xA600  }
0xb4: {  	[tilespmem:s23], [sflag:$0x4] =	stream.indirect.gather [hbm4b:s3+s9], $0x40, s22, s9, $0xb8;
	[tilespmem:$0xCB80] =	vst v63  }
0xb5: {  	_ = 	snop  }
0xb6: {  	[tilespmem:s25], [sflag:$0x4] =	stream.indirect.gather [hbm4b:s3+s9], $0x40, s24, s9, $0xb8;
	[tilespmem:$0xCB80] =	vst v63  }
0xb7: {  	_ = 	snop  }
0xb8: {  	[tilespmem:s28], [sflag:$0x4] =	stream.indirect.gather [hbm4b:s3+s9], $0x40, s26, s9, $0xb8;
	[tilespmem:$0xCB80] =	vst v63  }
0xb9: {  	_ =	swait.ge [sflag:s29], $0xC80  }
0xba: {  	[sflag:s29] =	ssyncset.done $0x0  }
0xbb: {  	[sflag:s29] =	ssyncadd.s32 $0xFFFFF380  }
0xbc: {  	_ =	swait.ge [sflag:s29], $0xC80  }
0xbd: {  	[sflag:s29] =	ssyncset.done $0x0  }
0xbe: {  	[sflag:s29] =	ssyncadd.s32 $0xFFFFF380  }
0xbf: {  	_ =	swait.ge [sflag:s29], $0xC80  }
0xc0: {  	[sflag:s29] =	ssyncset.done $0x0  }
0xc1: {  	[sflag:s29] =	ssyncadd.s32 $0xFFFFF380  }
0xc2: {  	_ =	swait.ge [sflag:s29], $0xC80  }
0xc3: {  	[sflag:s29] =	ssyncset.done $0x0  }
0xc4: {  	[sflag:s29] =	ssyncadd.s32 $0xFFFFF380  }
0xc5: {  	_ =	swait.ge [sflag:s29], $0xC80  }
0xc6: {  	[sflag:s29] =	ssyncset.done $0x0  }
0xc7: {  	[sflag:s29] =	ssyncadd.s32 $0xFFFFF380  }
0xc8: {  	_ =	swait.ge [sflag:s29], $0xC80  }
0xc9: {  	[sflag:s29] =	ssyncset.done $0x0  }
0xca: {  	[sflag:s29] =	ssyncadd.s32 $0xFFFFF380  }
0xcb: {  	_ =	swait.ge [sflag:s29], $0xC80  }
0xcc: {  	[sflag:s29] =	ssyncset.done $0x0  }
0xcd: {  	[sflag:s29] =	ssyncadd.s32 $0xFFFFF380  }
0xce: {  	_ =	swait.ge [sflag:s29], $0xC80  }
0xcf: {  	[sflag:s29] =	ssyncset.done $0x0  }
0xd0: {  	s31 =	sadd.s32 $0x1, s31;
	[sflag:s29] =	ssyncadd.s32 $0xFFFFF380  }
0xd1: {  	[hbm4b:s6+s2] =	stream.linear.scatter [tilespmem:s13], [sflag:$0x6], $0x6400, $0x38;
	[tilespmem:$0xCB80] =	vst v63  }
0xd2: {  	p0 =	sne.s32 s31, s5;
	_ =	swait.ge [sflag:s30], $0x6400  }
.Ltmp1:
0xd3: {  	[sflag:s30] =	ssyncset.done $0x0;
	(pc) =	sbr.rel @p0 .LBB2_1-.Ltmp1, $4  }
0xd4: {  	[sflag:s30] =	ssyncadd.s32 $0xFFFF9C00  }
0xd5: {  	_ =	swait.ge [sflag:s10], $0x6400  }
0xd6: {  	[sflag:s10] =	ssyncset.done $0x0  }
0xd7: {  	[sflag:s10] =	ssyncadd.s32 $0xFFFF9C00  }
0xd8: {  	_ =	sfence.sel $0x180000  }
0xd9: {  	[bflag:$0x0] =	sbarrier.arrive $0xFFFF  }
0xda: {  	_ =	strace $0x90000047  }
0xdb: {  	s0 =	stileid.u32;
	[bflag:$0x2] =	sbarrier.arrive $0xFFFF  }
0xdc: {  	p0 =	sne.s32 s0, $0x0;
	s0 =	rddreg [dreg:$0x2]  }
0xdd: {  	s0 =	sadd.s32 @!p0 $0x100000, s0  }
0xde: {  	[sflag:s0] =	ssyncadd.tile.s32 @!p0 $0x1;
	_ =	shalt  }
.Lfunc_end2:
_tile_overlayer_lowered:
.L_overlay_start_2:
0xdf: {  	(tag) =	ssettag $0x2  }
0xe0: {  	s0 =	rddreg [dreg:$0x0];
	s2 =	stileid.u32  }
0xe1: {  	s1 =	rddreg [dreg:$0x1];
	p0 =	sne.s32 s2, $0x0  }
0xe2: {  	s3 =	rddreg [dreg:$0x2];
	[bflag:$0x3] =	sbarrier.arrive $0xFFFF;
	s2 =	simm.s32 @!p0 $0x1C07  }
0xe3: {  	[timem:s3], [sflag:s2] =	dma.local @!p0 [hbm:s0], s1  }
0xe4: {  	s0 =	simm.s32 @!p0 $0x7  }
0xe5: {  	_ =	swait.ge @!p0 [sflag:s0], s1  }
0xe6: {  	s1 =	ssub.s32 @!p0 $0x0, s1;
	[sflag:s0] =	ssyncset.done @!p0 $0x0  }
0xe7: {  	[sflag:s0] =	ssyncadd.s32 @!p0 s1  }
0xe8: {  	[bflag:$0x3] =	sbarrier.arrive $0xFFFF  }
0xe9: {  	_ =	shalt  }

// kernel: sparse-core-data-format-call.cloned.1.call-start
scs
called_computation_lowered:
.L_overlay_start_0:
0x0: {  	s2 =	sld [smem:$0x3FD9]  }
0x1: {  	s3 =	sld [smem:$0x3FFE];
	_ =	sdelay $0x1  }
0x2: {  	s1 =	srdreg.scid  }
0x3: {  	s0 =	sand.u32 $0x1, s1  }
0x4: {  	s18 =	sshll.u32 s0, $0xA;
	s2 =	sadd.s32 s3, s2  }
0x5: {  	s2 =	sadd.s32 s2, s18  }
0x6: {  	[smem:$0x3FC6] =	sst s2  }
0x7: {  	_ = 	snop  }
0x8: {  	s2 =	sld [smem:$0x3FD0];
	(tm) =	ssettm $0x1  }
0x9: {  	s19 =	sld [smem:$0x3FFB];
	_ =	sdelay $0x3  }
0xa: {  	_ =	strace s19  }
0xb: {  	s3 =	sld [smem:$0x3FFC];
	_ =	sdelay $0x3  }
0xc: {  	_ =	strace s3  }
0xd: {  	s3 =	sld [smem:$0x3FFD];
	_ =	sdelay $0x3  }
0xe: {  	_ =	strace s3  }
0xf: {  	_ =	strace $0x8FFFFFFF  }
0x10: {  	s20 =	sld [smem:$0x3FDB];
	_ =	sdelay $0x1  }
0x11: {  	s4 =	simm.s32 $_scs_section_size  }
0x12: {  	s5 =	simm.s32 $_size__tile_overlayer_lowered;
	s6 =	simm.s32 $_tile_overlayer_lowered  }
0x13: {  	s23 =	simm.s32 $0x1BFF;
	s22 =	sshll.u32 s6, $0x1;
	s3 =	sadd.s32 s4, s20  }
0x14: {  	s7 =	simm.s32 $0x0;
	s21 =	sshll.u32 s5, $0x1;
	s5 =	sadd.s32 s22, s3  }
0x15: {  	[timem:s7], [sflag:s23] =	dma.local [hbm:s5], s21  }
0x16: {  	_ =	swait.ge [sflag:s23], s21  }
0x17: {  	s4 =	ssub.s32 $0x0, s21;
	[sflag:s23] =	ssyncset.done $0x0  }
0x18: {  	[sflag:s23] =	ssyncadd.s32 s4;
	_ =	sdelay $0x1  }
0x19: {  	s24 =	simm.s32 $0x1B8B  }
0x1a: {  	_ =	swait.ge [sflag:s24], $0x1  }
0x1b: {  	[sflag:s24] =	ssyncset.done $0x0  }
0x1c: {  	s26 =	simm.s32 $0x1B8E;
	s25 =	sld [smem:$0x3FFE];
	[sflag:s24] =	ssyncadd.s32 $0xFFFFFFFF  }
0x1d: {  	s27 =	simm.s32 $execute0_lowered;
	[smem:$0x3FD2] =	sst s26  }
0x1e: {  	s5 =	sshll.u32 s27, $0x1;
	_ =	strace $0x80000049;
	[dreg:$0x1] =	wrdreg $0xFFFFFFFF  }
0x1f: {  	s28 =	simm.s32 $_size_execute0_lowered;
	s3 =	sadd.s32 s3, s5;
	[dreg:$0x0] =	wrdreg $0x0  }
0x20: {  	s5 =	sshll.u32 s28, $0x1;
	[dreg:$0x2] =	wrdreg s3  }
0x21: {  	[dreg:$0x3] =	wrdreg s5  }
0x22: {  	[dreg:$0x4] =	wrdreg $0xC0  }
0x23: {  	_ =	task [dreg:s7], $0x5FFFF  }
0x24: {  	[dreg:$0x1] =	wrdreg $0xFFFFFFFF  }
0x25: {  	[dreg:$0x0] =	wrdreg $0x60  }
0x26: {  	[dreg:$0x2] =	wrdreg s25  }
0x27: {  	[dreg:$0x3] =	wrdreg s2  }
0x28: {  	[dreg:$0x4] =	wrdreg $0x9  }
0x29: {  	_ =	task.clear_ibuf [dreg:s7], $0x5FFFF;
	_ =	strace $0x90000049  }
0x2a: {  	s29 =	simm.s32 $0x9;
	_ =	strace $0x8000004B  }
0x2b: {  	_ =	swait.ge [sflag:s29], $0x1  }
0x2c: {  	[sflag:s29] =	ssyncadd.s32 $0xFFFFFFFF  }
0x2d: {  	_ =	strace $0x9000004B  }
0x2e: {  	_ =	sfence  }
0x2f: {  	s30 =	sld [smem:$0x0];
	_ =	sdelay $0x2  }
0x30: {  	s31 =	sshll.u32 s1, $0xD;
	s1 =	sshrl.u32 s1, $0x2  }
0x31: {  	s3 =	sand.u32 $0x4000, s31;
	s1 =	sadd.s32 s1, s30  }
0x32: {  	s0 =	sor.u32 s3, s0;
	s1 =	sshll.u32 s1, $0x11  }
0x33: {  	s0 =	sor.u32 s1, s0  }
0x34: {  	s0 =	sadd.s32 $0x8F2B, s0  }
0x35: {  	[sflag:s0] =	ssyncadd.remote.s32 $0x1  }
0x36: {  	_ =	sfence.sel $0xFFFF  }
0x37: {  	[dreg:$0x0] =	wrdreg $0xFFFFFFFF;
	(pc) =	sbr.abs _section_cstart, $3  }
0x38: {  	[dreg:$0x1] =	wrdreg $0xFFFFFFFF  }
0x39: {  	_ =	task.clear_ibuf [dreg:s7], $0x2FFFF;
	_ =	strace $0x9FFFFFFF  }
0x3a: {  	(tm) =	ssettm $0x7FFFFFFF  }
0x3b: {  	_ =	shalt  }
tec
execute0_lowered:
.L_overlay_start_1:
0x0: {  	(tag) =	ssettag $0x1  }
0x1: {  	s0 =	srdreg.scid  }
0x2: {  	s1 =	sshll.u32 s0, $0x4  }
0x3: {  	s0 =	stileid.u32;
	s1 =	sand.u32 $0x10, s1  }
0x4: {  	s1 =	sor.u32 s0, s1  }
0x5: {  	s6 =	rddreg [dreg:$0x0];
	s4 =	simm.s32 $0x1;
	s2 =	sshll.u32 s1, $0x7  }
0x6: {  	s7 =	simm.s32 $0x2;
	s12 =	simm.s32 $0x0;
	s1 =	ssub.s32 $0x4000, s2  }
0x7: {  	s8 =	simm.s32 $0x20000;
	s13 =	simm.s32 $0x0;
	s3 =	sand.u32 $0xF80, s1  }
0x8: {  	s9 =	simm.s32 $0x0;
	s5 =	sshrl.u32 s1, $0xC;
	p0 =	sne.s32 s3, $0x0  }
.Ltmp0:
0x9: {  	s1 =	rddreg [dreg:$0x2];
	s4 =	simm.s32 @!p0 $0x0;
	(pc) =	sbr.rel .LBB1_1-.Ltmp0, $4  }
0xa: {  	s11 =	simm.s32 $0x0;
	s3 =	rddreg [dreg:$0x1];
	s5 =	sadd.s32 s4, s5  }
0xb: {  	_ =	strace $0x8000004A;
	s4 =	simm.s32 $0x1;
	s5 =	smul.u32 $0x32, s5  }
0xc: {  	s6 =	sadd.s32 $0xA00, s6;
	s10 =	smov.u32 s2;
	[sflag:s4] =	ssyncpa.u1 $0x0  }
0xd: {  	p0 =	por $0x0, $0x0;
	[sflag:s7] =	ssyncpa.u1 $0x0;
	s7 =	sor.u32 $0x1, s5  }
.LBB1_4:
0xe: {  	s16 =	sshll.u32 s13, $0x3;
	s17 =	sand.u32 $0x78, s13  }
0xf: {  	s30 =	sand.u32 $0x1F800, s13;
	s12 =	sshll.u32 s12, $0x11;
	s16 =	sand.u32 $0x3C00, s16  }
0x10: {  	[tilespmem:s15+$0x810 ss:$0x81] =	vst.msk $0xffff, v2;
	s31 =	sand.u32 $0x7, s13;
	s16 =	sor.u32 s17, s16;
	s17 =	sadd.s32 s3, s30  }
0x11: {  	[tilespmem:s15+$0x1020 ss:$0x81] =	vst.msk $0xffff, v0;
	s13 =	sshll.u32 s31, $0x12;
	s12 =	sadd.s32 s12, s17;
	s16 =	sshrl.u32 s16, $0x3  }
0x12: {  	[tilespmem:s15+$0x0 ss:$0x81] =	vst.msk $0xffff, v1;
	s13 =	sor.u32 $0x400, s13;
	s12 =	sadd.s32 s16, s12  }
0x13: {  	[hbm4b:s12+s13] =	stream.strided.scatter [tilespmem:s14], [sflag:$0x2], $0x2000, s8, s13, $0x20;
	[tilespmem:$0x8080] =	vst v63  }
.LBB1_5:
0x14: {  	s14 =	sadd.s32 $0x1, s9  }
0x15: {  	s12 =	sadd.s32 $0x1000, s10;
	s16 =	smov.u32 s10;
	p2 =	sgt.s32 s14, $0x31  }
0x16: {  	s16 =	smov.u32 @p2 s12  }
0x17: {  	s14 =	simm.s32 @p2 $0x0;
	p2 =	sgt.s32 s16, $0x3FFF  }
0x18: {  	s16 =	smov.u32 @p2 s2;
	p2 =	sne.s32 s11, s7  }
.Ltmp1:
0x19: {  	p1 =	slt.u32 s11, $0x2;
	(pc) =	sbr.rel @!p2 .LBB1_6-.Ltmp1, $4  }
0x1a: {  	s15 =	simm.s32 @!p1 $0x2  }
0x1b: {  	s13 =	smov.u32 s10;
	p0 =	por !p0, !p0;
	_ =	swait.ge @!p1 [sflag:s15], $0x2000  }
0x1c: {  	s12 =	smov.u32 s9;
	[sflag:s15] =	ssyncset.done @!p1 $0x0;
	s9 =	smov.u32 s14  }
0x1d: {  	s11 =	sadd.s32 $0x1, s11;
	[sflag:s15] =	ssyncadd.s32 @!p1 $0xFFFFE000;
	s10 =	smov.u32 s16  }
.LBB1_1:
0x1e: {  	p1 =	sge.u32 s11, s5  }
0x1f: {  	s14 =	sand.u32 @!p1 $0x1FFFFFF, s9  }
0x20: {  	s15 =	smulhi.u32 @!p1 $0x4924925, s14;
	_ =	sdelay $0x1  }
0x21: {  	s15 =	smul.u32 @!p1 $0x38, s15  }
0x22: {  	s16 =	sxor.u32 @!p1 $0xFFFFFFFF, s11;
	s17 =	smul.u32 @!p1 $0x380, s10  }
0x23: {  	s31 =	sadd.s32 $0xFFFFFFFF, s11;
	s16 =	sshll.u32 @!p1 s16, $0xD;
	s14 =	ssub.s32 @!p1 s14, s15  }
0x24: {  	s15 =	sand.u32 @!p1 $0x2000, s16;
	s16 =	sadd.s32 @!p1 s6, s17;
	s14 =	sshll.u32 @!p1 s14, $0x4  }
0x25: {  	s17 =	simm.s32 @!p1 $0x1C00;
	s14 =	sadd.s32 @!p1 s14, s16;
	s16 =	simm.s32 @!p1 $0x40  }
0x26: {  	[tilespmem:s15], [sflag:$0x1] =	stream.strided.gather @!p1 [hbm4b:s14+s16], $0x2000, s17, s16, $0x38;
	[tilespmem:$0x8080] =	vst v63  }
0x27: {  	p1 =	sge.u32 s31, s5  }
.Ltmp2:
0x28: {  	_ = 	snop;
	(pc) =	sbr.rel @p1 .LBB1_5-.Ltmp2, $1  }
0x29: {  	_ =	sdelay $0x3  }
0x2a: {  	s14 =	simm.s32 $0x1  }
0x2b: {  	_ =	swait.ge [sflag:s4], $0x2000;
	s14 =	simm.s32 @!p0 $0x0  }
0x2c: {  	[sflag:s4] =	ssyncset.done $0x0;
	s15 =	sshll.u32 s14, $0xD  }
0x2d: {  	[sflag:s4] =	ssyncadd.s32 $0xFFFFE000;
	s18 =	sor.u32 $0x20, s15  }
0x2e: {  	s14 =	smul.u32 $0x8100, s14;
	v3 =	vld [tilespmem:s18+$0x10]  }
0x2f: {  	s30 =	sand.u32 $0x1, s11;
	v2 =	vld [tilespmem:s18+$0xFFFFFFF0]  }
0x30: {  	s15 =	smul.u32 $0x8100, s30;
	s14 =	sshrl.u32 s14, $0x2;
	v0 =	vld [tilespmem:s18+$0x0]  }
0x31: {  	v1 =	vld [tilespmem:s18+$0xFFFFFFE0];
	s16 =	sor.u32 $0x4000, s14  }
0x32: {  	s31 =	sshrl.u32 s15, $0x2;
	s15 =	sadd.s32 $0x0, s16  }
0x33: {  	s17 =	simm.s32 $0x4;
	s18 =	sadd.s32 $0x40, s18;
	s14 =	sor.u32 $0x4000, s31;
	[tilespmem:s15+$0x1830 ss:$0x81] =	vst.msk $0xffff, v3  }
.LBB1_3:
0x34: {  	v3 =	vld [tilespmem:s18+$0x10];
	p1 =	sne.s32 s17, $0x1FC;
	[tilespmem:s15+$0x810 ss:$0x81] =	vst.msk $0xffff, v2;
	s19 =	smov.u32 s17;
	s17 =	sadd.s32 $0x4, s17  }
.Ltmp3:
0x35: {  	v2 =	vld [tilespmem:s18+$0xFFFFFFF0];
	[tilespmem:s15+$0x1020 ss:$0x81] =	vst.msk $0xffff, v0;
	(pc) =	sbr.rel @p1 .LBB1_3-.Ltmp3, $4  }
0x36: {  	v0 =	vld [tilespmem:s18+$0x0];
	[tilespmem:s15+$0x0 ss:$0x81] =	vst.msk $0xffff, v1  }
0x37: {  	s15 =	sshra.s32 s19, $0x2;
	v1 =	vld [tilespmem:s18+$0xFFFFFFE0]  }
0x38: {  	s15 =	sadd.s32 s15, s16  }
0x39: {  	s18 =	sadd.s32 $0x40, s18;
	[tilespmem:s15+$0x1830 ss:$0x81] =	vst.msk $0xffff, v3  }
.Ltmp4:
0x3a: {  	_ = 	snop;
	(pc) =	sbr.rel .LBB1_4-.Ltmp4, $1  }
0x3b: {  	_ =	sdelay $0x3  }
.LBB1_6:
0x3c: {  	_ =	sfence.sel $0x180000  }
0x3d: {  	s2 =	simm.s32 $0x1;
	[bflag:$0x0] =	sbarrier.arrive $0xFFFF  }
0x3e: {  	s31 =	simm.s32 $0x2;
	[sflag:s2] =	ssyncpa.u1 $0x1  }
0x3f: {  	[sflag:s31] =	ssyncpa.u1 $0x1  }
0x40: {  	p0 =	sne.s32 s0, $0x0;
	_ =	strace $0x9000004A  }
0x41: {  	s0 =	sadd.s32 @!p0 $0x100000, s1;
	[bflag:$0x2] =	sbarrier.arrive $0xFFFF  }
0x42: {  	[sflag:s0] =	ssyncadd.tile.s32 @!p0 $0x1;
	_ =	shalt  }
.Lfunc_end1:
_tile_overlayer_lowered:
.L_overlay_start_2:
0x43: {  	(tag) =	ssettag $0x2  }
0x44: {  	s0 =	rddreg [dreg:$0x0];
	s2 =	stileid.u32  }
0x45: {  	s1 =	rddreg [dreg:$0x1];
	p0 =	sne.s32 s2, $0x0  }
0x46: {  	s3 =	rddreg [dreg:$0x2];
	[bflag:$0x3] =	sbarrier.arrive $0xFFFF;
	s2 =	simm.s32 @!p0 $0x1C01  }
0x47: {  	[timem:s3], [sflag:s2] =	dma.local @!p0 [hbm:s0], s1  }
0x48: {  	s0 =	simm.s32 @!p0 $0x1  }
0x49: {  	_ =	swait.ge @!p0 [sflag:s0], s1  }
0x4a: {  	s1 =	ssub.s32 @!p0 $0x0, s1;
	[sflag:s0] =	ssyncset.done @!p0 $0x0  }
0x4b: {  	[sflag:s0] =	ssyncadd.s32 @!p0 s1  }
0x4c: {  	[bflag:$0x3] =	sbarrier.arrive $0xFFFF  }
0x4d: {  	_ =	shalt  }

</sc_bundles>
